<compile_context>
chip_gen: v7x
topology: tpu7x:2x2x1
jax: 0.10.2.dev20260603
libtpu: 0.0.44.dev20260713+nightly
codegen_flags: <defaults>
</compile_context>

<pallas_src>
import jax
import jax.numpy as jnp
from jax import lax
from jax.experimental import pallas as pl
from jax.experimental.pallas import tpu as pltpu
from jax.experimental.pallas import tpu_sc as plsc

BATCH = 4096
VOCAB = 1000000
DIM = 32
NNZ = 106496

NC = 2
NS = 16
NW = NC * NS
CHUNK = 128
PER_W = NNZ // NW
NCHUNK = PER_W // CHUNK
ROWS_PER_TILE = BATCH // NS

CB = 32768
Q = CB // 4
QSHIFT = Q.bit_length() - 1
NBLK = (VOCAB + CB - 1) // CB
VOCAB_PAD = NBLK * CB


def _tp_body(t_ref, o_ref):
    x = t_ref[...]
    x4 = jnp.concatenate([x[:, Q * j:Q * (j + 1)] for j in range(4)], axis=0)
    eye = jnp.eye(128, dtype=jnp.float32)
    o_ref[...] = jax.lax.dot(x4.T, eye, precision=jax.lax.Precision.DEFAULT)


def _transpose_pack(tab):
    tabT = tab.T
    return pl.pallas_call(
        _tp_body,
        grid=(NBLK,),
        in_specs=[pl.BlockSpec((32, CB), lambda c: (0, c))],
        out_specs=pl.BlockSpec((Q, 128), lambda c: (c, 0)),
        out_shape=jax.ShapeDtypeStruct((VOCAB_PAD // 4, 128), jnp.float32),
    )(tabT)


def _sc_body(idx_hbm, val_hbm, rid_hbm, tab_hbm, out_hbm,
             raw2, idx2, rid2, val2, rows_a, rows_b, w_a, w_b,
             acc_sh, sem_a, sem_b):
    cid = lax.axis_index("c")
    sid = lax.axis_index("s")
    wid = cid * NS + sid

    zeros = jnp.zeros((16,), jnp.float32)

    def _zero(j, _):
        rows_a[j, pl.ds(0, 16)] = zeros
        rows_a[j, pl.ds(16, 16)] = zeros
        return 0
    lax.fori_loop(0, CHUNK, _zero, 0)
    pltpu.sync_copy(rows_a, acc_sh.at[pl.ds(sid * ROWS_PER_TILE, CHUNK)])
    pltpu.sync_copy(rows_a, acc_sh.at[pl.ds(sid * ROWS_PER_TILE + CHUNK, CHUNK)])
    plsc.subcore_barrier()

    pltpu.sync_copy(idx_hbm.at[wid], raw2)
    pltpu.sync_copy(rid_hbm.at[wid], rid2)
    pltpu.sync_copy(val_hbm.at[wid], val2)

    def _remap_c(c, _):
        def _remap_g(g, _):
            raw = raw2[c, pl.ds(g * 16, 16)]
            idx2[c, pl.ds(g * 16, 16)] = (
                (raw & ~(CB - 1))
                + ((raw & (Q - 1)) << 2)
                + ((raw >> QSHIFT) & 3)
            )
            return 0
        lax.fori_loop(0, CHUNK // 16, _remap_g, 0)
        return 0
    lax.fori_loop(0, NCHUNK, _remap_c, 0)

    pltpu.async_copy(tab_hbm.at[idx2.at[0]], rows_a, sem_a)
    pltpu.async_copy(tab_hbm.at[idx2.at[1]], rows_b, sem_b)

    def _half(c, rows_v, w_v, sem):
        pltpu.make_async_copy(tab_hbm.at[idx2.at[c]], rows_v, sem).wait()

        def _scale(g, _):
            vvec = val2[c, pl.ds(g * 16, 16)]
            for t in range(16):
                j = g * 16 + t
                v = vvec[t]
                w_v[j, pl.ds(0, 16)] = rows_v[j, pl.ds(0, 16)] * v
                w_v[j, pl.ds(16, 16)] = rows_v[j, pl.ds(16, 16)] * v
            return 0
        lax.fori_loop(0, CHUNK // 16, _scale, 0)

        @pl.when(c + 2 < NCHUNK)
        def _():
            pltpu.async_copy(tab_hbm.at[idx2.at[c + 2]], rows_v, sem)

        pltpu.sync_copy(w_v, acc_sh.at[rid2.at[c]], add=True)

    def _pair(i, _):
        _half(i * 2, rows_a, w_a, sem_a)
        _half(i * 2 + 1, rows_b, w_b, sem_b)
        return 0
    lax.fori_loop(0, NCHUNK // 2, _pair, 0)
    plsc.subcore_barrier()

    pltpu.sync_copy(acc_sh.at[pl.ds(sid * ROWS_PER_TILE, ROWS_PER_TILE)],
                    out_hbm.at[cid, pl.ds(sid * ROWS_PER_TILE, ROWS_PER_TILE)])


def _sc_lookup(sp_indices, sp_values, sp_row_ids, tab_lin):
    mesh = plsc.VectorSubcoreMesh(core_axis_name="c", subcore_axis_name="s")
    idx_r = sp_indices.reshape(NW, NCHUNK, CHUNK)
    val_r = sp_values.reshape(NW, NCHUNK, CHUNK)
    rid_r = sp_row_ids.reshape(NW, NCHUNK, CHUNK)
    return pl.kernel(
        _sc_body,
        out_type=jax.ShapeDtypeStruct((NC, BATCH, DIM), jnp.float32),
        mesh=mesh,
        compiler_params=pltpu.CompilerParams(use_tc_tiling_on_sc=False),
        scratch_types=[
            pltpu.VMEM((NCHUNK, CHUNK), jnp.int32),
            pltpu.VMEM((NCHUNK, CHUNK), jnp.int32),
            pltpu.VMEM((NCHUNK, CHUNK), jnp.int32),
            pltpu.VMEM((NCHUNK, CHUNK), jnp.float32),
            pltpu.VMEM((CHUNK, DIM), jnp.float32),
            pltpu.VMEM((CHUNK, DIM), jnp.float32),
            pltpu.VMEM((CHUNK, DIM), jnp.float32),
            pltpu.VMEM((CHUNK, DIM), jnp.float32),
            pltpu.VMEM_SHARED((BATCH, DIM), jnp.float32),
            pltpu.SemaphoreType.DMA,
            pltpu.SemaphoreType.DMA,
        ],
    )(idx_r, val_r, rid_r, tab_lin)


def _add_body(p_ref, o_ref):
    o_ref[...] = (p_ref[0] + p_ref[1]).T


@jax.jit
def _run(sp_indices, sp_values, sp_row_ids, tab):
    packed = _transpose_pack(tab)
    tab_lin = packed.reshape(VOCAB_PAD, DIM)
    partials = _sc_lookup(sp_indices, sp_values, sp_row_ids, tab_lin)
    outT = pl.pallas_call(
        _add_body,
        out_shape=jax.ShapeDtypeStruct((DIM, BATCH), jnp.float32),
    )(partials)
    return outT.T


def kernel(sp_indices, sp_values, sp_row_ids, kernel):
    return _run(sp_indices, sp_values, sp_row_ids, kernel)

# --- scband reference (transcript-rebuilt; emitter-appended) ---
"""Pipeline reference for scband-sparse-input-30150670418083 (READ-ONLY COPY).

The authoritative reference and input builder live on the scoring server;
editing this copy changes nothing except your own understanding.
"""

import jax, jax.numpy as jnp
import numpy as np

BATCH = 4096
VOCAB = 1000000
OUTPUT_DIM = 32
NNZ = 106496

def setup_inputs(seed: int = 0) -> dict:
    key = jax.random.key(seed)
    k1, k2, k3, k4 = jax.random.split(key, 4)
    sp_indices = jax.random.randint(k1, (NNZ,), 0, VOCAB, dtype=jnp.int64) if jax.config.jax_enable_x64 else jax.random.randint(k1, (NNZ,), 0, VOCAB, dtype=jnp.int32)
    sp_values = jax.random.uniform(k2, (NNZ,), dtype=jnp.float32)
    sp_row_ids = jnp.sort(jax.random.randint(k3, (NNZ,), 0, BATCH, dtype=jnp.int32))
    # learned kernel, matches keras add_weight shape (input_shape[1]=VOCAB, output_dim)
    kernel = (jax.random.uniform(k4, (VOCAB, OUTPUT_DIM), dtype=jnp.float32) - 0.5) * 0.1
    return {"sp_indices": sp_indices, "sp_values": sp_values, "sp_row_ids": sp_row_ids, "kernel": kernel}

def reference(sp_indices, sp_values, sp_row_ids, kernel):
    # tf.sparse.sparse_dense_matmul(x, kernel) where x is sparse [BATCH, VOCAB]:
    # out[b, :] = sum over nnz in row b of value * kernel[col, :]
    gathered = jnp.take(kernel, sp_indices, axis=0)          # [NNZ, OUTPUT_DIM] gather
    weighted = gathered * sp_values[:, None]                  # scale by sparse values
    out = jax.ops.segment_sum(weighted, sp_row_ids, num_segments=BATCH)  # scatter-add
    return out

if __name__ == "__main__":
    import jax
    _d = setup_inputs()
    print(jax.jit(kernel)(*tuple(_d.values())))

</pallas_src>

<mosaic_0001>
#map = affine_map<(d0, d1) -> (0, 0, 0)>
#map1 = affine_map<(d0, d1) -> (0, 0)>
module attributes {stable_mosaic.version = 14 : i64} {
  func.func @_sc_body(%arg0: i32, %arg1: i32, %arg2: memref<32x26x128xi32, #tpu.memory_space<hbm>>, %arg3: memref<32x26x128xf32, #tpu.memory_space<hbm>>, %arg4: memref<32x26x128xi32, #tpu.memory_space<hbm>>, %arg5: memref<1015808x32xf32, #tpu.memory_space<hbm>>, %arg6: memref<2x4096x32xf32, #tpu.memory_space<hbm>>, %arg7: memref<26x128xi32, #tpu.memory_space<vmem>>, %arg8: memref<26x128xi32, #tpu.memory_space<vmem>>, %arg9: memref<26x128xi32, #tpu.memory_space<vmem>>, %arg10: memref<26x128xf32, #tpu.memory_space<vmem>>, %arg11: memref<128x32xf32, #tpu.memory_space<vmem>>, %arg12: memref<128x32xf32, #tpu.memory_space<vmem>>, %arg13: memref<128x32xf32, #tpu.memory_space<vmem>>, %arg14: memref<128x32xf32, #tpu.memory_space<vmem>>, %arg15: memref<4096x32xf32, #tpu.memory_space<vmem_shared>>, %arg16: memref<!tpu.dma_semaphore, #tpu.memory_space<semaphore_mem>>, %arg17: memref<!tpu.dma_semaphore, #tpu.memory_space<semaphore_mem>>) attributes {dimension_semantics = [#tpu.dimension_semantics<core_parallel>, #tpu.dimension_semantics<subcore_parallel>], iteration_bounds = array<i64: 2, 16>, scalar_prefetch = 0 : i64, scratch_operands = 11 : i64, tpu.core_type = #tpu.core_type<sc_vector_subcore>, window_params = [{transform_indices = #map}, {transform_indices = #map}, {transform_indices = #map}, {transform_indices = #map1}, {transform_indices = #map}]} {
    %mul3A = arith.constant 16 : i32
    %mul3A_0 = arith.muli %arg0, %mul3A : i32
    %add3A = arith.addi %mul3A_0, %arg1 : i32
    %broadcast_in_dim3A = arith.constant 0.000000e+00 : f32
    %broadcast_in_dim3A_1 = vector.broadcast %broadcast_in_dim3A : f32 to vector<16xf32>
    %scan3A = arith.constant 0 : i32
    %scan3A_2 = arith.constant 0 : i32
    %scan3A_3 = arith.constant 128 : i32
    %scan3A_4 = arith.addi %scan3A_2, %scan3A_3 : i32
    %scan3A_5 = arith.constant 1 : i32
    %scan3A_6 = scf.for %scan3A_46 = %scan3A_2 to %scan3A_4 step %scan3A_5 iter_args(%scan3A_47 = %scan3A) -> (i32)  : i32 {
      %swap3A = arith.index_cast %scan3A_46 : i32 to index
      %swap3A_48 = arith.constant 0 : index
      %swap3A_49 = tpu.vector_load %arg11[%swap3A, %swap3A_48] {strides = array<i32>} : memref<128x32xf32, #tpu.memory_space<vmem>>, vector<1x16xf32>,
      %swap3A_50 = vector.shape_cast %swap3A_49 : vector<1x16xf32> to vector<16xf32>
      %swap3A_51 = vector.shape_cast %broadcast_in_dim3A_1 : vector<16xf32> to vector<1x16xf32>
      tpu.vector_store %arg11[%swap3A, %swap3A_48], %swap3A_51 {strides = array<i32>} : memref<128x32xf32, #tpu.memory_space<vmem>>, vector<1x16xf32>,
      %swap3A_52 = arith.index_cast %scan3A_46 : i32 to index
      %swap3A_53 = arith.constant 16 : index
      %swap3A_54 = tpu.vector_load %arg11[%swap3A_52, %swap3A_53] {strides = array<i32>} : memref<128x32xf32, #tpu.memory_space<vmem>>, vector<1x16xf32>,
      %swap3A_55 = vector.shape_cast %swap3A_54 : vector<1x16xf32> to vector<16xf32>
      %swap3A_56 = vector.shape_cast %broadcast_in_dim3A_1 : vector<16xf32> to vector<1x16xf32>
      tpu.vector_store %arg11[%swap3A_52, %swap3A_53], %swap3A_56 {strides = array<i32>} : memref<128x32xf32, #tpu.memory_space<vmem>>, vector<1x16xf32>,
      %scan3A_57 = arith.constant 0 : i32
      scf.yield %scan3A_57 : i32
    }
    %scan3A_7 = arith.constant 128 : i32
    %mul3A_8 = arith.constant 256 : i32
    %mul3A_9 = arith.muli %arg1, %mul3A_8 : i32
    "tpu.region"() ({
      %run_scoped3A = tpu.sem_alloc : memref<!tpu.dma_semaphore, #tpu.memory_space<semaphore_mem>>
      %dma_start3A_46 = arith.constant 0 : i32
      %dma_start3A_47 = tpu.memref_slice %arg15[%mul3A_9, %dma_start3A_46] : memref<4096x32xf32, #tpu.memory_space<vmem_shared>> -> memref<128x32xf32, #tpu.memory_space<vmem_shared>>
      %dma_start3A_48 = arith.constant 0 : i32
      %dma_start3A_49 = tpu.memref_slice %arg15[%mul3A_9, %dma_start3A_48] : memref<4096x32xf32, #tpu.memory_space<vmem_shared>> -> memref<128x32xf32, #tpu.memory_space<vmem_shared>>
      tpu.enqueue_dma source(%arg11 : memref<128x32xf32, #tpu.memory_space<vmem>>) target(%dma_start3A_49 : memref<128x32xf32, #tpu.memory_space<vmem_shared>>) target_semaphore(%run_scoped3A : memref<!tpu.dma_semaphore, #tpu.memory_space<semaphore_mem>>)
      %dma_wait3A = arith.constant 0 : i32
      %dma_wait3A_50 = tpu.memref_slice %arg15[%mul3A_9, %dma_wait3A] : memref<4096x32xf32, #tpu.memory_space<vmem_shared>> -> memref<128x32xf32, #tpu.memory_space<vmem_shared>>
      %dma_wait3A_51 = arith.constant 0 : i32
      %dma_wait3A_52 = tpu.memref_slice %arg15[%mul3A_9, %dma_wait3A_51] : memref<4096x32xf32, #tpu.memory_space<vmem_shared>> -> memref<128x32xf32, #tpu.memory_space<vmem_shared>>
      tpu.wait_dma2 semaphore(%run_scoped3A : memref<!tpu.dma_semaphore, #tpu.memory_space<semaphore_mem>>) src(%arg11 : memref<128x32xf32, #tpu.memory_space<vmem>>) dst(%dma_wait3A_52 : memref<128x32xf32, #tpu.memory_space<vmem_shared>>)
      tpu.yield
    }) : () -> ()
    %mul3A_10 = arith.constant 256 : i32
    %mul3A_11 = arith.muli %arg1, %mul3A_10 : i32
    %add3A_12 = arith.constant 128 : i32
    %add3A_13 = arith.addi %mul3A_11, %add3A_12 : i32
    "tpu.region"() ({
      %run_scoped3A = tpu.sem_alloc : memref<!tpu.dma_semaphore, #tpu.memory_space<semaphore_mem>>
      %dma_start3A_46 = arith.constant 0 : i32
      %dma_start3A_47 = tpu.memref_slice %arg15[%add3A_13, %dma_start3A_46] : memref<4096x32xf32, #tpu.memory_space<vmem_shared>> -> memref<128x32xf32, #tpu.memory_space<vmem_shared>>
      %dma_start3A_48 = arith.constant 0 : i32
      %dma_start3A_49 = tpu.memref_slice %arg15[%add3A_13, %dma_start3A_48] : memref<4096x32xf32, #tpu.memory_space<vmem_shared>> -> memref<128x32xf32, #tpu.memory_space<vmem_shared>>
      tpu.enqueue_dma source(%arg11 : memref<128x32xf32, #tpu.memory_space<vmem>>) target(%dma_start3A_49 : memref<128x32xf32, #tpu.memory_space<vmem_shared>>) target_semaphore(%run_scoped3A : memref<!tpu.dma_semaphore, #tpu.memory_space<semaphore_mem>>)
      %dma_wait3A = arith.constant 0 : i32
      %dma_wait3A_50 = tpu.memref_slice %arg15[%add3A_13, %dma_wait3A] : memref<4096x32xf32, #tpu.memory_space<vmem_shared>> -> memref<128x32xf32, #tpu.memory_space<vmem_shared>>
      %dma_wait3A_51 = arith.constant 0 : i32
      %dma_wait3A_52 = tpu.memref_slice %arg15[%add3A_13, %dma_wait3A_51] : memref<4096x32xf32, #tpu.memory_space<vmem_shared>> -> memref<128x32xf32, #tpu.memory_space<vmem_shared>>
      tpu.wait_dma2 semaphore(%run_scoped3A : memref<!tpu.dma_semaphore, #tpu.memory_space<semaphore_mem>>) src(%arg11 : memref<128x32xf32, #tpu.memory_space<vmem>>) dst(%dma_wait3A_52 : memref<128x32xf32, #tpu.memory_space<vmem_shared>>)
      tpu.yield
    }) : () -> ()
    %barrier3A = arith.constant 0 : index
    tpu.barrier barrier_id(%barrier3A)
    "tpu.region"() ({
      %run_scoped3A = tpu.sem_alloc : memref<!tpu.dma_semaphore, #tpu.memory_space<semaphore_mem>>
      %dma_start3A_46 = arith.constant 0 : i32
      %dma_start3A_47 = arith.constant 0 : i32
      %dma_start3A_48 = tpu.memref_slice %arg2[%add3A, %dma_start3A_46, %dma_start3A_47] : memref<32x26x128xi32, #tpu.memory_space<hbm>> -> memref<1x26x128xi32, #tpu.memory_space<hbm>>
      %dma_start3A_49 = tpu.memref_squeeze %dma_start3A_48 : memref<1x26x128xi32, #tpu.memory_space<hbm>> -> memref<26x128xi32, #tpu.memory_space<hbm>>
      %dma_start3A_50 = arith.constant 0 : i32
      %dma_start3A_51 = arith.constant 0 : i32
      %dma_start3A_52 = tpu.memref_slice %arg2[%add3A, %dma_start3A_50, %dma_start3A_51] : memref<32x26x128xi32, #tpu.memory_space<hbm>> -> memref<1x26x128xi32, #tpu.memory_space<hbm>>
      %dma_start3A_53 = tpu.memref_squeeze %dma_start3A_52 : memref<1x26x128xi32, #tpu.memory_space<hbm>> -> memref<26x128xi32, #tpu.memory_space<hbm>>
      tpu.enqueue_dma source(%dma_start3A_53 : memref<26x128xi32, #tpu.memory_space<hbm>>) target(%arg7 : memref<26x128xi32, #tpu.memory_space<vmem>>) target_semaphore(%run_scoped3A : memref<!tpu.dma_semaphore, #tpu.memory_space<semaphore_mem>>)
      %dma_wait3A = arith.constant 0 : i32
      %dma_wait3A_54 = arith.constant 0 : i32
      %dma_wait3A_55 = tpu.memref_slice %arg2[%add3A, %dma_wait3A, %dma_wait3A_54] : memref<32x26x128xi32, #tpu.memory_space<hbm>> -> memref<1x26x128xi32, #tpu.memory_space<hbm>>
      %dma_wait3A_56 = tpu.memref_squeeze %dma_wait3A_55 : memref<1x26x128xi32, #tpu.memory_space<hbm>> -> memref<26x128xi32, #tpu.memory_space<hbm>>
      %dma_wait3A_57 = arith.constant 0 : i32
      %dma_wait3A_58 = arith.constant 0 : i32
      %dma_wait3A_59 = tpu.memref_slice %arg2[%add3A, %dma_wait3A_57, %dma_wait3A_58] : memref<32x26x128xi32, #tpu.memory_space<hbm>> -> memref<1x26x128xi32, #tpu.memory_space<hbm>>
      %dma_wait3A_60 = tpu.memref_squeeze %dma_wait3A_59 : memref<1x26x128xi32, #tpu.memory_space<hbm>> -> memref<26x128xi32, #tpu.memory_space<hbm>>
      tpu.wait_dma2 semaphore(%run_scoped3A : memref<!tpu.dma_semaphore, #tpu.memory_space<semaphore_mem>>) src(%dma_wait3A_60 : memref<26x128xi32, #tpu.memory_space<hbm>>) dst(%arg7 : memref<26x128xi32, #tpu.memory_space<vmem>>)
      tpu.yield
    }) : () -> ()
    "tpu.region"() ({
      %run_scoped3A = tpu.sem_alloc : memref<!tpu.dma_semaphore, #tpu.memory_space<semaphore_mem>>
      %dma_start3A_46 = arith.constant 0 : i32
      %dma_start3A_47 = arith.constant 0 : i32
      %dma_start3A_48 = tpu.memref_slice %arg4[%add3A, %dma_start3A_46, %dma_start3A_47] : memref<32x26x128xi32, #tpu.memory_space<hbm>> -> memref<1x26x128xi32, #tpu.memory_space<hbm>>
      %dma_start3A_49 = tpu.memref_squeeze %dma_start3A_48 : memref<1x26x128xi32, #tpu.memory_space<hbm>> -> memref<26x128xi32, #tpu.memory_space<hbm>>
      %dma_start3A_50 = arith.constant 0 : i32
      %dma_start3A_51 = arith.constant 0 : i32
      %dma_start3A_52 = tpu.memref_slice %arg4[%add3A, %dma_start3A_50, %dma_start3A_51] : memref<32x26x128xi32, #tpu.memory_space<hbm>> -> memref<1x26x128xi32, #tpu.memory_space<hbm>>
      %dma_start3A_53 = tpu.memref_squeeze %dma_start3A_52 : memref<1x26x128xi32, #tpu.memory_space<hbm>> -> memref<26x128xi32, #tpu.memory_space<hbm>>
      tpu.enqueue_dma source(%dma_start3A_53 : memref<26x128xi32, #tpu.memory_space<hbm>>) target(%arg9 : memref<26x128xi32, #tpu.memory_space<vmem>>) target_semaphore(%run_scoped3A : memref<!tpu.dma_semaphore, #tpu.memory_space<semaphore_mem>>)
      %dma_wait3A = arith.constant 0 : i32
      %dma_wait3A_54 = arith.constant 0 : i32
      %dma_wait3A_55 = tpu.memref_slice %arg4[%add3A, %dma_wait3A, %dma_wait3A_54] : memref<32x26x128xi32, #tpu.memory_space<hbm>> -> memref<1x26x128xi32, #tpu.memory_space<hbm>>
      %dma_wait3A_56 = tpu.memref_squeeze %dma_wait3A_55 : memref<1x26x128xi32, #tpu.memory_space<hbm>> -> memref<26x128xi32, #tpu.memory_space<hbm>>
      %dma_wait3A_57 = arith.constant 0 : i32
      %dma_wait3A_58 = arith.constant 0 : i32
      %dma_wait3A_59 = tpu.memref_slice %arg4[%add3A, %dma_wait3A_57, %dma_wait3A_58] : memref<32x26x128xi32, #tpu.memory_space<hbm>> -> memref<1x26x128xi32, #tpu.memory_space<hbm>>
      %dma_wait3A_60 = tpu.memref_squeeze %dma_wait3A_59 : memref<1x26x128xi32, #tpu.memory_space<hbm>> -> memref<26x128xi32, #tpu.memory_space<hbm>>
      tpu.wait_dma2 semaphore(%run_scoped3A : memref<!tpu.dma_semaphore, #tpu.memory_space<semaphore_mem>>) src(%dma_wait3A_60 : memref<26x128xi32, #tpu.memory_space<hbm>>) dst(%arg9 : memref<26x128xi32, #tpu.memory_space<vmem>>)
      tpu.yield
    }) : () -> ()
    "tpu.region"() ({
      %run_scoped3A = tpu.sem_alloc : memref<!tpu.dma_semaphore, #tpu.memory_space<semaphore_mem>>
      %dma_start3A_46 = arith.constant 0 : i32
      %dma_start3A_47 = arith.constant 0 : i32
      %dma_start3A_48 = tpu.memref_slice %arg3[%add3A, %dma_start3A_46, %dma_start3A_47] : memref<32x26x128xf32, #tpu.memory_space<hbm>> -> memref<1x26x128xf32, #tpu.memory_space<hbm>>
      %dma_start3A_49 = tpu.memref_squeeze %dma_start3A_48 : memref<1x26x128xf32, #tpu.memory_space<hbm>> -> memref<26x128xf32, #tpu.memory_space<hbm>>
      %dma_start3A_50 = arith.constant 0 : i32
      %dma_start3A_51 = arith.constant 0 : i32
      %dma_start3A_52 = tpu.memref_slice %arg3[%add3A, %dma_start3A_50, %dma_start3A_51] : memref<32x26x128xf32, #tpu.memory_space<hbm>> -> memref<1x26x128xf32, #tpu.memory_space<hbm>>
      %dma_start3A_53 = tpu.memref_squeeze %dma_start3A_52 : memref<1x26x128xf32, #tpu.memory_space<hbm>> -> memref<26x128xf32, #tpu.memory_space<hbm>>
      tpu.enqueue_dma source(%dma_start3A_53 : memref<26x128xf32, #tpu.memory_space<hbm>>) target(%arg10 : memref<26x128xf32, #tpu.memory_space<vmem>>) target_semaphore(%run_scoped3A : memref<!tpu.dma_semaphore, #tpu.memory_space<semaphore_mem>>)
      %dma_wait3A = arith.constant 0 : i32
      %dma_wait3A_54 = arith.constant 0 : i32
      %dma_wait3A_55 = tpu.memref_slice %arg3[%add3A, %dma_wait3A, %dma_wait3A_54] : memref<32x26x128xf32, #tpu.memory_space<hbm>> -> memref<1x26x128xf32, #tpu.memory_space<hbm>>
      %dma_wait3A_56 = tpu.memref_squeeze %dma_wait3A_55 : memref<1x26x128xf32, #tpu.memory_space<hbm>> -> memref<26x128xf32, #tpu.memory_space<hbm>>
      %dma_wait3A_57 = arith.constant 0 : i32
      %dma_wait3A_58 = arith.constant 0 : i32
      %dma_wait3A_59 = tpu.memref_slice %arg3[%add3A, %dma_wait3A_57, %dma_wait3A_58] : memref<32x26x128xf32, #tpu.memory_space<hbm>> -> memref<1x26x128xf32, #tpu.memory_space<hbm>>
      %dma_wait3A_60 = tpu.memref_squeeze %dma_wait3A_59 : memref<1x26x128xf32, #tpu.memory_space<hbm>> -> memref<26x128xf32, #tpu.memory_space<hbm>>
      tpu.wait_dma2 semaphore(%run_scoped3A : memref<!tpu.dma_semaphore, #tpu.memory_space<semaphore_mem>>) src(%dma_wait3A_60 : memref<26x128xf32, #tpu.memory_space<hbm>>) dst(%arg10 : memref<26x128xf32, #tpu.memory_space<vmem>>)
      tpu.yield
    }) : () -> ()
    %scan3A_14 = arith.constant 0 : i32
    %scan3A_15 = arith.constant 0 : i32
    %scan3A_16 = arith.constant 26 : i32
    %scan3A_17 = arith.addi %scan3A_15, %scan3A_16 : i32
    %scan3A_18 = arith.constant 1 : i32
    %scan3A_19 = scf.for %scan3A_46 = %scan3A_15 to %scan3A_17 step %scan3A_18 iter_args(%scan3A_47 = %scan3A_14) -> (i32)  : i32 {
      %scan3A_48 = arith.constant 0 : i32
      %scan3A_49 = arith.constant 0 : i32
      %scan3A_50 = arith.constant 8 : i32
      %scan3A_51 = arith.addi %scan3A_49, %scan3A_50 : i32
      %scan3A_52 = arith.constant 1 : i32
      %scan3A_53 = scf.for %scan3A_56 = %scan3A_49 to %scan3A_51 step %scan3A_52 iter_args(%scan3A_57 = %scan3A_48) -> (i32)  : i32 {
        %mul3A_58 = arith.constant 16 : i32
        %mul3A_59 = arith.muli %scan3A_56, %mul3A_58 : i32
        %get3A = arith.index_cast %scan3A_46 : i32 to index
        %get3A_60 = arith.index_cast %mul3A_59 : i32 to index
        %get3A_61 = tpu.vector_load %arg7[%get3A, %get3A_60] {strides = array<i32>} : memref<26x128xi32, #tpu.memory_space<vmem>>, vector<1x16xi32>,
        %get3A_62 = vector.shape_cast %get3A_61 : vector<1x16xi32> to vector<16xi32>
        %and3A = arith.constant -32768 : i32
        %and3A_63 = vector.broadcast %and3A : i32 to vector<16xi32>
        %and3A_64 = arith.andi %get3A_62, %and3A_63 : vector<16xi32>
        %and3A_65 = arith.constant 8191 : i32
        %and3A_66 = vector.broadcast %and3A_65 : i32 to vector<16xi32>
        %and3A_67 = arith.andi %get3A_62, %and3A_66 : vector<16xi32>
        %shift_left3A = arith.constant 2 : i32
        %shift_left3A_68 = vector.broadcast %shift_left3A : i32 to vector<16xi32>
        %shift_left3A_69 = arith.shli %and3A_67, %shift_left3A_68 : vector<16xi32>
        %add3A_70 = arith.addi %and3A_64, %shift_left3A_69 : vector<16xi32>
        %shift_right_arithmetic3A = arith.constant 13 : i32
        %shift_right_arithmetic3A_71 = vector.broadcast %shift_right_arithmetic3A : i32 to vector<16xi32>
        %shift_right_arithmetic3A_72 = arith.shrsi %get3A_62, %shift_right_arithmetic3A_71 : vector<16xi32>
        %and3A_73 = arith.constant 3 : i32
        %and3A_74 = vector.broadcast %and3A_73 : i32 to vector<16xi32>
        %and3A_75 = arith.andi %shift_right_arithmetic3A_72, %and3A_74 : vector<16xi32>
        %add3A_76 = arith.addi %add3A_70, %and3A_75 : vector<16xi32>
        %mul3A_77 = arith.constant 16 : i32
        %mul3A_78 = arith.muli %scan3A_56, %mul3A_77 : i32
        %swap3A = arith.index_cast %scan3A_46 : i32 to index
        %swap3A_79 = arith.index_cast %mul3A_78 : i32 to index
        %swap3A_80 = tpu.vector_load %arg8[%swap3A, %swap3A_79] {strides = array<i32>} : memref<26x128xi32, #tpu.memory_space<vmem>>, vector<1x16xi32>,
        %swap3A_81 = vector.shape_cast %swap3A_80 : vector<1x16xi32> to vector<16xi32>
        %swap3A_82 = vector.shape_cast %add3A_76 : vector<16xi32> to vector<1x16xi32>
        tpu.vector_store %arg8[%swap3A, %swap3A_79], %swap3A_82 {strides = array<i32>} : memref<26x128xi32, #tpu.memory_space<vmem>>, vector<1x16xi32>,
        %scan3A_83 = arith.constant 0 : i32
        scf.yield %scan3A_83 : i32
      }
      %scan3A_54 = arith.constant 8 : i32
      %scan3A_55 = arith.constant 0 : i32
      scf.yield %scan3A_55 : i32
    }
    %scan3A_20 = arith.constant 26 : i32
    %dma_start3A = arith.constant 0 : i32
    %dma_start3A_21 = arith.constant 0 : i32
    %dma_start3A_22 = tpu.memref_slice %arg8[%dma_start3A, %dma_start3A_21] : memref<26x128xi32, #tpu.memory_space<vmem>> -> memref<1x128xi32, #tpu.memory_space<vmem>>
    %dma_start3A_23 = tpu.memref_squeeze %dma_start3A_22 : memref<1x128xi32, #tpu.memory_space<vmem>> -> memref<128xi32, #tpu.memory_space<vmem>>
    %dma_start3A_24 = arith.constant 0 : i32
    %dma_start3A_25 = arith.constant 0 : i32
    %dma_start3A_26 = tpu.memref_slice %arg5[%dma_start3A_24, %dma_start3A_25] : memref<1015808x32xf32, #tpu.memory_space<hbm>> -> memref<1015808x32xf32, #tpu.memory_space<hbm>>
    tpu.enqueue_indirect_dma source(%dma_start3A_26 : memref<1015808x32xf32, #tpu.memory_space<hbm>>) target(%arg11 : memref<128x32xf32, #tpu.memory_space<vmem>>) offsets(%dma_start3A_23 : memref<128xi32, #tpu.memory_space<vmem>>) semaphore(%arg16 : memref<!tpu.dma_semaphore, #tpu.memory_space<semaphore_mem>>)
    %dma_start3A_27 = arith.constant 1 : i32
    %dma_start3A_28 = arith.constant 0 : i32
    %dma_start3A_29 = tpu.memref_slice %arg8[%dma_start3A_27, %dma_start3A_28] : memref<26x128xi32, #tpu.memory_space<vmem>> -> memref<1x128xi32, #tpu.memory_space<vmem>>
    %dma_start3A_30 = tpu.memref_squeeze %dma_start3A_29 : memref<1x128xi32, #tpu.memory_space<vmem>> -> memref<128xi32, #tpu.memory_space<vmem>>
    %dma_start3A_31 = arith.constant 0 : i32
    %dma_start3A_32 = arith.constant 0 : i32
    %dma_start3A_33 = tpu.memref_slice %arg5[%dma_start3A_31, %dma_start3A_32] : memref<1015808x32xf32, #tpu.memory_space<hbm>> -> memref<1015808x32xf32, #tpu.memory_space<hbm>>
    tpu.enqueue_indirect_dma source(%dma_start3A_33 : memref<1015808x32xf32, #tpu.memory_space<hbm>>) target(%arg12 : memref<128x32xf32, #tpu.memory_space<vmem>>) offsets(%dma_start3A_30 : memref<128xi32, #tpu.memory_space<vmem>>) semaphore(%arg17 : memref<!tpu.dma_semaphore, #tpu.memory_space<semaphore_mem>>)
    %scan3A_34 = arith.constant 0 : i32
    %scan3A_35 = arith.constant 0 : i32
    %scan3A_36 = arith.constant 13 : i32
    %scan3A_37 = arith.addi %scan3A_35, %scan3A_36 : i32
    %scan3A_38 = arith.constant 1 : i32
    %scan3A_39 = scf.for %scan3A_46 = %scan3A_35 to %scan3A_37 step %scan3A_38 iter_args(%scan3A_47 = %scan3A_34) -> (i32)  : i32 {
      %mul3A_48 = arith.constant 2 : i32
      %mul3A_49 = arith.muli %scan3A_46, %mul3A_48 : i32
      %dma_wait3A = arith.constant 0 : i32
      %dma_wait3A_50 = tpu.memref_slice %arg8[%mul3A_49, %dma_wait3A] : memref<26x128xi32, #tpu.memory_space<vmem>> -> memref<1x128xi32, #tpu.memory_space<vmem>>
      %dma_wait3A_51 = tpu.memref_squeeze %dma_wait3A_50 : memref<1x128xi32, #tpu.memory_space<vmem>> -> memref<128xi32, #tpu.memory_space<vmem>>
      %dma_wait3A_52 = arith.constant 0 : i32
      %dma_wait3A_53 = arith.constant 0 : i32
      %dma_wait3A_54 = tpu.memref_slice %arg5[%dma_wait3A_52, %dma_wait3A_53] : memref<1015808x32xf32, #tpu.memory_space<hbm>> -> memref<1015808x32xf32, #tpu.memory_space<hbm>>
      tpu.wait_indirect_dma semaphore(%arg16 : memref<!tpu.dma_semaphore, #tpu.memory_space<semaphore_mem>>) src(%dma_wait3A_54 : memref<1015808x32xf32, #tpu.memory_space<hbm>>) dst(%arg11 : memref<128x32xf32, #tpu.memory_space<vmem>>)
      %scan3A_55 = arith.constant 0 : i32
      %scan3A_56 = arith.constant 0 : i32
      %scan3A_57 = arith.constant 8 : i32
      %scan3A_58 = arith.addi %scan3A_56, %scan3A_57 : i32
      %scan3A_59 = arith.constant 1 : i32
      %scan3A_60 = scf.for %scan3A_91 = %scan3A_56 to %scan3A_58 step %scan3A_59 iter_args(%scan3A_92 = %scan3A_55) -> (i32)  : i32 {
        %mul3A_93 = arith.constant 16 : i32
        %mul3A_94 = arith.muli %scan3A_91, %mul3A_93 : i32
        %get3A = arith.index_cast %mul3A_49 : i32 to index
        %get3A_95 = arith.index_cast %mul3A_94 : i32 to index
        %get3A_96 = tpu.vector_load %arg10[%get3A, %get3A_95] {strides = array<i32>} : memref<26x128xf32, #tpu.memory_space<vmem>>, vector<1x16xf32>,
        %get3A_97 = vector.shape_cast %get3A_96 : vector<1x16xf32> to vector<16xf32>
        %mul3A_98 = arith.constant 16 : i32
        %mul3A_99 = arith.muli %scan3A_91, %mul3A_98 : i32
        %add3A_100 = arith.constant 0 : i32
        %add3A_101 = arith.addi %mul3A_99, %add3A_100 : i32
        %slice3A = vector.extract_strided_slice %get3A_97 {offsets = [0], sizes = [1], strides = [1]} : vector<16xf32> to vector<1xf32>
        %squeeze3A = vector.extract %slice3A[0] : f32 from vector<1xf32>
        %get3A_102 = arith.index_cast %add3A_101 : i32 to index
        %get3A_103 = arith.constant 0 : index
        %get3A_104 = tpu.vector_load %arg11[%get3A_102, %get3A_103] {strides = array<i32>} : memref<128x32xf32, #tpu.memory_space<vmem>>, vector<1x16xf32>,
        %get3A_105 = vector.shape_cast %get3A_104 : vector<1x16xf32> to vector<16xf32>
        %mul3A_106 = vector.broadcast %squeeze3A : f32 to vector<16xf32>
        %mul3A_107 = arith.mulf %get3A_105, %mul3A_106 : vector<16xf32>
        %swap3A = arith.index_cast %add3A_101 : i32 to index
        %swap3A_108 = arith.constant 0 : index
        %swap3A_109 = tpu.vector_load %arg13[%swap3A, %swap3A_108] {strides = array<i32>} : memref<128x32xf32, #tpu.memory_space<vmem>>, vector<1x16xf32>,
        %swap3A_110 = vector.shape_cast %swap3A_109 : vector<1x16xf32> to vector<16xf32>
        %swap3A_111 = vector.shape_cast %mul3A_107 : vector<16xf32> to vector<1x16xf32>
        tpu.vector_store %arg13[%swap3A, %swap3A_108], %swap3A_111 {strides = array<i32>} : memref<128x32xf32, #tpu.memory_space<vmem>>, vector<1x16xf32>,
        %get3A_112 = arith.index_cast %add3A_101 : i32 to index
        %get3A_113 = arith.constant 16 : index
        %get3A_114 = tpu.vector_load %arg11[%get3A_112, %get3A_113] {strides = array<i32>} : memref<128x32xf32, #tpu.memory_space<vmem>>, vector<1x16xf32>,
        %get3A_115 = vector.shape_cast %get3A_114 : vector<1x16xf32> to vector<16xf32>
        %mul3A_116 = vector.broadcast %squeeze3A : f32 to vector<16xf32>
        %mul3A_117 = arith.mulf %get3A_115, %mul3A_116 : vector<16xf32>
        %swap3A_118 = arith.index_cast %add3A_101 : i32 to index
        %swap3A_119 = arith.constant 16 : index
        %swap3A_120 = tpu.vector_load %arg13[%swap3A_118, %swap3A_119] {strides = array<i32>} : memref<128x32xf32, #tpu.memory_space<vmem>>, vector<1x16xf32>,
        %swap3A_121 = vector.shape_cast %swap3A_120 : vector<1x16xf32> to vector<16xf32>
        %swap3A_122 = vector.shape_cast %mul3A_117 : vector<16xf32> to vector<1x16xf32>
        tpu.vector_store %arg13[%swap3A_118, %swap3A_119], %swap3A_122 {strides = array<i32>} : memref<128x32xf32, #tpu.memory_space<vmem>>, vector<1x16xf32>,
        %mul3A_123 = arith.constant 16 : i32
        %mul3A_124 = arith.muli %scan3A_91, %mul3A_123 : i32
        %add3A_125 = arith.constant 1 : i32
        %add3A_126 = arith.addi %mul3A_124, %add3A_125 : i32
        %slice3A_127 = vector.extract_strided_slice %get3A_97 {offsets = [1], sizes = [1], strides = [1]} : vector<16xf32> to vector<1xf32>
        %squeeze3A_128 = vector.extract %slice3A_127[0] : f32 from vector<1xf32>
        %get3A_129 = arith.index_cast %add3A_126 : i32 to index
        %get3A_130 = arith.constant 0 : index
        %get3A_131 = tpu.vector_load %arg11[%get3A_129, %get3A_130] {strides = array<i32>} : memref<128x32xf32, #tpu.memory_space<vmem>>, vector<1x16xf32>,
        %get3A_132 = vector.shape_cast %get3A_131 : vector<1x16xf32> to vector<16xf32>
        %mul3A_133 = vector.broadcast %squeeze3A_128 : f32 to vector<16xf32>
        %mul3A_134 = arith.mulf %get3A_132, %mul3A_133 : vector<16xf32>
        %swap3A_135 = arith.index_cast %add3A_126 : i32 to index
        %swap3A_136 = arith.constant 0 : index
        %swap3A_137 = tpu.vector_load %arg13[%swap3A_135, %swap3A_136] {strides = array<i32>} : memref<128x32xf32, #tpu.memory_space<vmem>>, vector<1x16xf32>,
        %swap3A_138 = vector.shape_cast %swap3A_137 : vector<1x16xf32> to vector<16xf32>
        %swap3A_139 = vector.shape_cast %mul3A_134 : vector<16xf32> to vector<1x16xf32>
        tpu.vector_store %arg13[%swap3A_135, %swap3A_136], %swap3A_139 {strides = array<i32>} : memref<128x32xf32, #tpu.memory_space<vmem>>, vector<1x16xf32>,
        %get3A_140 = arith.index_cast %add3A_126 : i32 to index
        %get3A_141 = arith.constant 16 : index
        %get3A_142 = tpu.vector_load %arg11[%get3A_140, %get3A_141] {strides = array<i32>} : memref<128x32xf32, #tpu.memory_space<vmem>>, vector<1x16xf32>,
        %get3A_143 = vector.shape_cast %get3A_142 : vector<1x16xf32> to vector<16xf32>
        %mul3A_144 = vector.broadcast %squeeze3A_128 : f32 to vector<16xf32>
        %mul3A_145 = arith.mulf %get3A_143, %mul3A_144 : vector<16xf32>
        %swap3A_146 = arith.index_cast %add3A_126 : i32 to index
        %swap3A_147 = arith.constant 16 : index
        %swap3A_148 = tpu.vector_load %arg13[%swap3A_146, %swap3A_147] {strides = array<i32>} : memref<128x32xf32, #tpu.memory_space<vmem>>, vector<1x16xf32>,
        %swap3A_149 = vector.shape_cast %swap3A_148 : vector<1x16xf32> to vector<16xf32>
        %swap3A_150 = vector.shape_cast %mul3A_145 : vector<16xf32> to vector<1x16xf32>
        tpu.vector_store %arg13[%swap3A_146, %swap3A_147], %swap3A_150 {strides = array<i32>} : memref<128x32xf32, #tpu.memory_space<vmem>>, vector<1x16xf32>,
        %mul3A_151 = arith.constant 16 : i32
        %mul3A_152 = arith.muli %scan3A_91, %mul3A_151 : i32
        %add3A_153 = arith.constant 2 : i32
        %add3A_154 = arith.addi %mul3A_152, %add3A_153 : i32
        %slice3A_155 = vector.extract_strided_slice %get3A_97 {offsets = [2], sizes = [1], strides = [1]} : vector<16xf32> to vector<1xf32>
        %squeeze3A_156 = vector.extract %slice3A_155[0] : f32 from vector<1xf32>
        %get3A_157 = arith.index_cast %add3A_154 : i32 to index
        %get3A_158 = arith.constant 0 : index
        %get3A_159 = tpu.vector_load %arg11[%get3A_157, %get3A_158] {strides = array<i32>} : memref<128x32xf32, #tpu.memory_space<vmem>>, vector<1x16xf32>,
        %get3A_160 = vector.shape_cast %get3A_159 : vector<1x16xf32> to vector<16xf32>
        %mul3A_161 = vector.broadcast %squeeze3A_156 : f32 to vector<16xf32>
        %mul3A_162 = arith.mulf %get3A_160, %mul3A_161 : vector<16xf32>
        %swap3A_163 = arith.index_cast %add3A_154 : i32 to index
        %swap3A_164 = arith.constant 0 : index
        %swap3A_165 = tpu.vector_load %arg13[%swap3A_163, %swap3A_164] {strides = array<i32>} : memref<128x32xf32, #tpu.memory_space<vmem>>, vector<1x16xf32>,
        %swap3A_166 = vector.shape_cast %swap3A_165 : vector<1x16xf32> to vector<16xf32>
        %swap3A_167 = vector.shape_cast %mul3A_162 : vector<16xf32> to vector<1x16xf32>
        tpu.vector_store %arg13[%swap3A_163, %swap3A_164], %swap3A_167 {strides = array<i32>} : memref<128x32xf32, #tpu.memory_space<vmem>>, vector<1x16xf32>,
        %get3A_168 = arith.index_cast %add3A_154 : i32 to index
        %get3A_169 = arith.constant 16 : index
        %get3A_170 = tpu.vector_load %arg11[%get3A_168, %get3A_169] {strides = array<i32>} : memref<128x32xf32, #tpu.memory_space<vmem>>, vector<1x16xf32>,
        %get3A_171 = vector.shape_cast %get3A_170 : vector<1x16xf32> to vector<16xf32>
        %mul3A_172 = vector.broadcast %squeeze3A_156 : f32 to vector<16xf32>
        %mul3A_173 = arith.mulf %get3A_171, %mul3A_172 : vector<16xf32>
        %swap3A_174 = arith.index_cast %add3A_154 : i32 to index
        %swap3A_175 = arith.constant 16 : index
        %swap3A_176 = tpu.vector_load %arg13[%swap3A_174, %swap3A_175] {strides = array<i32>} : memref<128x32xf32, #tpu.memory_space<vmem>>, vector<1x16xf32>,
        %swap3A_177 = vector.shape_cast %swap3A_176 : vector<1x16xf32> to vector<16xf32>
        %swap3A_178 = vector.shape_cast %mul3A_173 : vector<16xf32> to vector<1x16xf32>
        tpu.vector_store %arg13[%swap3A_174, %swap3A_175], %swap3A_178 {strides = array<i32>} : memref<128x32xf32, #tpu.memory_space<vmem>>, vector<1x16xf32>,
        %mul3A_179 = arith.constant 16 : i32
        %mul3A_180 = arith.muli %scan3A_91, %mul3A_179 : i32
        %add3A_181 = arith.constant 3 : i32
        %add3A_182 = arith.addi %mul3A_180, %add3A_181 : i32
        %slice3A_183 = vector.extract_strided_slice %get3A_97 {offsets = [3], sizes = [1], strides = [1]} : vector<16xf32> to vector<1xf32>
        %squeeze3A_184 = vector.extract %slice3A_183[0] : f32 from vector<1xf32>
        %get3A_185 = arith.index_cast %add3A_182 : i32 to index
        %get3A_186 = arith.constant 0 : index
        %get3A_187 = tpu.vector_load %arg11[%get3A_185, %get3A_186] {strides = array<i32>} : memref<128x32xf32, #tpu.memory_space<vmem>>, vector<1x16xf32>,
        %get3A_188 = vector.shape_cast %get3A_187 : vector<1x16xf32> to vector<16xf32>
        %mul3A_189 = vector.broadcast %squeeze3A_184 : f32 to vector<16xf32>
        %mul3A_190 = arith.mulf %get3A_188, %mul3A_189 : vector<16xf32>
        %swap3A_191 = arith.index_cast %add3A_182 : i32 to index
        %swap3A_192 = arith.constant 0 : index
        %swap3A_193 = tpu.vector_load %arg13[%swap3A_191, %swap3A_192] {strides = array<i32>} : memref<128x32xf32, #tpu.memory_space<vmem>>, vector<1x16xf32>,
        %swap3A_194 = vector.shape_cast %swap3A_193 : vector<1x16xf32> to vector<16xf32>
        %swap3A_195 = vector.shape_cast %mul3A_190 : vector<16xf32> to vector<1x16xf32>
        tpu.vector_store %arg13[%swap3A_191, %swap3A_192], %swap3A_195 {strides = array<i32>} : memref<128x32xf32, #tpu.memory_space<vmem>>, vector<1x16xf32>,
        %get3A_196 = arith.index_cast %add3A_182 : i32 to index
        %get3A_197 = arith.constant 16 : index
        %get3A_198 = tpu.vector_load %arg11[%get3A_196, %get3A_197] {strides = array<i32>} : memref<128x32xf32, #tpu.memory_space<vmem>>, vector<1x16xf32>,
        %get3A_199 = vector.shape_cast %get3A_198 : vector<1x16xf32> to vector<16xf32>
        %mul3A_200 = vector.broadcast %squeeze3A_184 : f32 to vector<16xf32>
        %mul3A_201 = arith.mulf %get3A_199, %mul3A_200 : vector<16xf32>
        %swap3A_202 = arith.index_cast %add3A_182 : i32 to index
        %swap3A_203 = arith.constant 16 : index
        %swap3A_204 = tpu.vector_load %arg13[%swap3A_202, %swap3A_203] {strides = array<i32>} : memref<128x32xf32, #tpu.memory_space<vmem>>, vector<1x16xf32>,
        %swap3A_205 = vector.shape_cast %swap3A_204 : vector<1x16xf32> to vector<16xf32>
        %swap3A_206 = vector.shape_cast %mul3A_201 : vector<16xf32> to vector<1x16xf32>
        tpu.vector_store %arg13[%swap3A_202, %swap3A_203], %swap3A_206 {strides = array<i32>} : memref<128x32xf32, #tpu.memory_space<vmem>>, vector<1x16xf32>,
        %mul3A_207 = arith.constant 16 : i32
        %mul3A_208 = arith.muli %scan3A_91, %mul3A_207 : i32
        %add3A_209 = arith.constant 4 : i32
        %add3A_210 = arith.addi %mul3A_208, %add3A_209 : i32
        %slice3A_211 = vector.extract_strided_slice %get3A_97 {offsets = [4], sizes = [1], strides = [1]} : vector<16xf32> to vector<1xf32>
        %squeeze3A_212 = vector.extract %slice3A_211[0] : f32 from vector<1xf32>
        %get3A_213 = arith.index_cast %add3A_210 : i32 to index
        %get3A_214 = arith.constant 0 : index
        %get3A_215 = tpu.vector_load %arg11[%get3A_213, %get3A_214] {strides = array<i32>} : memref<128x32xf32, #tpu.memory_space<vmem>>, vector<1x16xf32>,
        %get3A_216 = vector.shape_cast %get3A_215 : vector<1x16xf32> to vector<16xf32>
        %mul3A_217 = vector.broadcast %squeeze3A_212 : f32 to vector<16xf32>
        %mul3A_218 = arith.mulf %get3A_216, %mul3A_217 : vector<16xf32>
        %swap3A_219 = arith.index_cast %add3A_210 : i32 to index
        %swap3A_220 = arith.constant 0 : index
        %swap3A_221 = tpu.vector_load %arg13[%swap3A_219, %swap3A_220] {strides = array<i32>} : memref<128x32xf32, #tpu.memory_space<vmem>>, vector<1x16xf32>,
        %swap3A_222 = vector.shape_cast %swap3A_221 : vector<1x16xf32> to vector<16xf32>
        %swap3A_223 = vector.shape_cast %mul3A_218 : vector<16xf32> to vector<1x16xf32>
        tpu.vector_store %arg13[%swap3A_219, %swap3A_220], %swap3A_223 {strides = array<i32>} : memref<128x32xf32, #tpu.memory_space<vmem>>, vector<1x16xf32>,
        %get3A_224 = arith.index_cast %add3A_210 : i32 to index
        %get3A_225 = arith.constant 16 : index
        %get3A_226 = tpu.vector_load %arg11[%get3A_224, %get3A_225] {strides = array<i32>} : memref<128x32xf32, #tpu.memory_space<vmem>>, vector<1x16xf32>,
        %get3A_227 = vector.shape_cast %get3A_226 : vector<1x16xf32> to vector<16xf32>
        %mul3A_228 = vector.broadcast %squeeze3A_212 : f32 to vector<16xf32>
        %mul3A_229 = arith.mulf %get3A_227, %mul3A_228 : vector<16xf32>
        %swap3A_230 = arith.index_cast %add3A_210 : i32 to index
        %swap3A_231 = arith.constant 16 : index
        %swap3A_232 = tpu.vector_load %arg13[%swap3A_230, %swap3A_231] {strides = array<i32>} : memref<128x32xf32, #tpu.memory_space<vmem>>, vector<1x16xf32>,
        %swap3A_233 = vector.shape_cast %swap3A_232 : vector<1x16xf32> to vector<16xf32>
        %swap3A_234 = vector.shape_cast %mul3A_229 : vector<16xf32> to vector<1x16xf32>
        tpu.vector_store %arg13[%swap3A_230, %swap3A_231], %swap3A_234 {strides = array<i32>} : memref<128x32xf32, #tpu.memory_space<vmem>>, vector<1x16xf32>,
        %mul3A_235 = arith.constant 16 : i32
        %mul3A_236 = arith.muli %scan3A_91, %mul3A_235 : i32
        %add3A_237 = arith.constant 5 : i32
        %add3A_238 = arith.addi %mul3A_236, %add3A_237 : i32
        %slice3A_239 = vector.extract_strided_slice %get3A_97 {offsets = [5], sizes = [1], strides = [1]} : vector<16xf32> to vector<1xf32>
        %squeeze3A_240 = vector.extract %slice3A_239[0] : f32 from vector<1xf32>
        %get3A_241 = arith.index_cast %add3A_238 : i32 to index
        %get3A_242 = arith.constant 0 : index
        %get3A_243 = tpu.vector_load %arg11[%get3A_241, %get3A_242] {strides = array<i32>} : memref<128x32xf32, #tpu.memory_space<vmem>>, vector<1x16xf32>,
        %get3A_244 = vector.shape_cast %get3A_243 : vector<1x16xf32> to vector<16xf32>
        %mul3A_245 = vector.broadcast %squeeze3A_240 : f32 to vector<16xf32>
        %mul3A_246 = arith.mulf %get3A_244, %mul3A_245 : vector<16xf32>
        %swap3A_247 = arith.index_cast %add3A_238 : i32 to index
        %swap3A_248 = arith.constant 0 : index
        %swap3A_249 = tpu.vector_load %arg13[%swap3A_247, %swap3A_248] {strides = array<i32>} : memref<128x32xf32, #tpu.memory_space<vmem>>, vector<1x16xf32>,
        %swap3A_250 = vector.shape_cast %swap3A_249 : vector<1x16xf32> to vector<16xf32>
        %swap3A_251 = vector.shape_cast %mul3A_246 : vector<16xf32> to vector<1x16xf32>
        tpu.vector_store %arg13[%swap3A_247, %swap3A_248], %swap3A_251 {strides = array<i32>} : memref<128x32xf32, #tpu.memory_space<vmem>>, vector<1x16xf32>,
        %get3A_252 = arith.index_cast %add3A_238 : i32 to index
        %get3A_253 = arith.constant 16 : index
        %get3A_254 = tpu.vector_load %arg11[%get3A_252, %get3A_253] {strides = array<i32>} : memref<128x32xf32, #tpu.memory_space<vmem>>, vector<1x16xf32>,
        %get3A_255 = vector.shape_cast %get3A_254 : vector<1x16xf32> to vector<16xf32>
        %mul3A_256 = vector.broadcast %squeeze3A_240 : f32 to vector<16xf32>
        %mul3A_257 = arith.mulf %get3A_255, %mul3A_256 : vector<16xf32>
        %swap3A_258 = arith.index_cast %add3A_238 : i32 to index
        %swap3A_259 = arith.constant 16 : index
        %swap3A_260 = tpu.vector_load %arg13[%swap3A_258, %swap3A_259] {strides = array<i32>} : memref<128x32xf32, #tpu.memory_space<vmem>>, vector<1x16xf32>,
        %swap3A_261 = vector.shape_cast %swap3A_260 : vector<1x16xf32> to vector<16xf32>
        %swap3A_262 = vector.shape_cast %mul3A_257 : vector<16xf32> to vector<1x16xf32>
        tpu.vector_store %arg13[%swap3A_258, %swap3A_259], %swap3A_262 {strides = array<i32>} : memref<128x32xf32, #tpu.memory_space<vmem>>, vector<1x16xf32>,
        %mul3A_263 = arith.constant 16 : i32
        %mul3A_264 = arith.muli %scan3A_91, %mul3A_263 : i32
        %add3A_265 = arith.constant 6 : i32
        %add3A_266 = arith.addi %mul3A_264, %add3A_265 : i32
        %slice3A_267 = vector.extract_strided_slice %get3A_97 {offsets = [6], sizes = [1], strides = [1]} : vector<16xf32> to vector<1xf32>
        %squeeze3A_268 = vector.extract %slice3A_267[0] : f32 from vector<1xf32>
        %get3A_269 = arith.index_cast %add3A_266 : i32 to index
        %get3A_270 = arith.constant 0 : index
        %get3A_271 = tpu.vector_load %arg11[%get3A_269, %get3A_270] {strides = array<i32>} : memref<128x32xf32, #tpu.memory_space<vmem>>, vector<1x16xf32>,
        %get3A_272 = vector.shape_cast %get3A_271 : vector<1x16xf32> to vector<16xf32>
        %mul3A_273 = vector.broadcast %squeeze3A_268 : f32 to vector<16xf32>
        %mul3A_274 = arith.mulf %get3A_272, %mul3A_273 : vector<16xf32>
        %swap3A_275 = arith.index_cast %add3A_266 : i32 to index
        %swap3A_276 = arith.constant 0 : index
        %swap3A_277 = tpu.vector_load %arg13[%swap3A_275, %swap3A_276] {strides = array<i32>} : memref<128x32xf32, #tpu.memory_space<vmem>>, vector<1x16xf32>,
        %swap3A_278 = vector.shape_cast %swap3A_277 : vector<1x16xf32> to vector<16xf32>
        %swap3A_279 = vector.shape_cast %mul3A_274 : vector<16xf32> to vector<1x16xf32>
        tpu.vector_store %arg13[%swap3A_275, %swap3A_276], %swap3A_279 {strides = array<i32>} : memref<128x32xf32, #tpu.memory_space<vmem>>, vector<1x16xf32>,
        %get3A_280 = arith.index_cast %add3A_266 : i32 to index
        %get3A_281 = arith.constant 16 : index
        %get3A_282 = tpu.vector_load %arg11[%get3A_280, %get3A_281] {strides = array<i32>} : memref<128x32xf32, #tpu.memory_space<vmem>>, vector<1x16xf32>,
        %get3A_283 = vector.shape_cast %get3A_282 : vector<1x16xf32> to vector<16xf32>
        %mul3A_284 = vector.broadcast %squeeze3A_268 : f32 to vector<16xf32>
        %mul3A_285 = arith.mulf %get3A_283, %mul3A_284 : vector<16xf32>
        %swap3A_286 = arith.index_cast %add3A_266 : i32 to index
        %swap3A_287 = arith.constant 16 : index
        %swap3A_288 = tpu.vector_load %arg13[%swap3A_286, %swap3A_287] {strides = array<i32>} : memref<128x32xf32, #tpu.memory_space<vmem>>, vector<1x16xf32>,
        %swap3A_289 = vector.shape_cast %swap3A_288 : vector<1x16xf32> to vector<16xf32>
        %swap3A_290 = vector.shape_cast %mul3A_285 : vector<16xf32> to vector<1x16xf32>
        tpu.vector_store %arg13[%swap3A_286, %swap3A_287], %swap3A_290 {strides = array<i32>} : memref<128x32xf32, #tpu.memory_space<vmem>>, vector<1x16xf32>,
        %mul3A_291 = arith.constant 16 : i32
        %mul3A_292 = arith.muli %scan3A_91, %mul3A_291 : i32
        %add3A_293 = arith.constant 7 : i32
        %add3A_294 = arith.addi %mul3A_292, %add3A_293 : i32
        %slice3A_295 = vector.extract_strided_slice %get3A_97 {offsets = [7], sizes = [1], strides = [1]} : vector<16xf32> to vector<1xf32>
        %squeeze3A_296 = vector.extract %slice3A_295[0] : f32 from vector<1xf32>
        %get3A_297 = arith.index_cast %add3A_294 : i32 to index
        %get3A_298 = arith.constant 0 : index
        %get3A_299 = tpu.vector_load %arg11[%get3A_297, %get3A_298] {strides = array<i32>} : memref<128x32xf32, #tpu.memory_space<vmem>>, vector<1x16xf32>,
        %get3A_300 = vector.shape_cast %get3A_299 : vector<1x16xf32> to vector<16xf32>
        %mul3A_301 = vector.broadcast %squeeze3A_296 : f32 to vector<16xf32>
        %mul3A_302 = arith.mulf %get3A_300, %mul3A_301 : vector<16xf32>
        %swap3A_303 = arith.index_cast %add3A_294 : i32 to index
        %swap3A_304 = arith.constant 0 : index
        %swap3A_305 = tpu.vector_load %arg13[%swap3A_303, %swap3A_304] {strides = array<i32>} : memref<128x32xf32, #tpu.memory_space<vmem>>, vector<1x16xf32>,
        %swap3A_306 = vector.shape_cast %swap3A_305 : vector<1x16xf32> to vector<16xf32>
        %swap3A_307 = vector.shape_cast %mul3A_302 : vector<16xf32> to vector<1x16xf32>
        tpu.vector_store %arg13[%swap3A_303, %swap3A_304], %swap3A_307 {strides = array<i32>} : memref<128x32xf32, #tpu.memory_space<vmem>>, vector<1x16xf32>,
        %get3A_308 = arith.index_cast %add3A_294 : i32 to index
        %get3A_309 = arith.constant 16 : index
        %get3A_310 = tpu.vector_load %arg11[%get3A_308, %get3A_309] {strides = array<i32>} : memref<128x32xf32, #tpu.memory_space<vmem>>, vector<1x16xf32>,
        %get3A_311 = vector.shape_cast %get3A_310 : vector<1x16xf32> to vector<16xf32>
        %mul3A_312 = vector.broadcast %squeeze3A_296 : f32 to vector<16xf32>
        %mul3A_313 = arith.mulf %get3A_311, %mul3A_312 : vector<16xf32>
        %swap3A_314 = arith.index_cast %add3A_294 : i32 to index
        %swap3A_315 = arith.constant 16 : index
        %swap3A_316 = tpu.vector_load %arg13[%swap3A_314, %swap3A_315] {strides = array<i32>} : memref<128x32xf32, #tpu.memory_space<vmem>>, vector<1x16xf32>,
        %swap3A_317 = vector.shape_cast %swap3A_316 : vector<1x16xf32> to vector<16xf32>
        %swap3A_318 = vector.shape_cast %mul3A_313 : vector<16xf32> to vector<1x16xf32>
        tpu.vector_store %arg13[%swap3A_314, %swap3A_315], %swap3A_318 {strides = array<i32>} : memref<128x32xf32, #tpu.memory_space<vmem>>, vector<1x16xf32>,
        %mul3A_319 = arith.constant 16 : i32
        %mul3A_320 = arith.muli %scan3A_91, %mul3A_319 : i32
        %add3A_321 = arith.constant 8 : i32
        %add3A_322 = arith.addi %mul3A_320, %add3A_321 : i32
        %slice3A_323 = vector.extract_strided_slice %get3A_97 {offsets = [8], sizes = [1], strides = [1]} : vector<16xf32> to vector<1xf32>
        %squeeze3A_324 = vector.extract %slice3A_323[0] : f32 from vector<1xf32>
        %get3A_325 = arith.index_cast %add3A_322 : i32 to index
        %get3A_326 = arith.constant 0 : index
        %get3A_327 = tpu.vector_load %arg11[%get3A_325, %get3A_326] {strides = array<i32>} : memref<128x32xf32, #tpu.memory_space<vmem>>, vector<1x16xf32>,
        %get3A_328 = vector.shape_cast %get3A_327 : vector<1x16xf32> to vector<16xf32>
        %mul3A_329 = vector.broadcast %squeeze3A_324 : f32 to vector<16xf32>
        %mul3A_330 = arith.mulf %get3A_328, %mul3A_329 : vector<16xf32>
        %swap3A_331 = arith.index_cast %add3A_322 : i32 to index
        %swap3A_332 = arith.constant 0 : index
        %swap3A_333 = tpu.vector_load %arg13[%swap3A_331, %swap3A_332] {strides = array<i32>} : memref<128x32xf32, #tpu.memory_space<vmem>>, vector<1x16xf32>,
        %swap3A_334 = vector.shape_cast %swap3A_333 : vector<1x16xf32> to vector<16xf32>
        %swap3A_335 = vector.shape_cast %mul3A_330 : vector<16xf32> to vector<1x16xf32>
        tpu.vector_store %arg13[%swap3A_331, %swap3A_332], %swap3A_335 {strides = array<i32>} : memref<128x32xf32, #tpu.memory_space<vmem>>, vector<1x16xf32>,
        %get3A_336 = arith.index_cast %add3A_322 : i32 to index
        %get3A_337 = arith.constant 16 : index
        %get3A_338 = tpu.vector_load %arg11[%get3A_336, %get3A_337] {strides = array<i32>} : memref<128x32xf32, #tpu.memory_space<vmem>>, vector<1x16xf32>,
        %get3A_339 = vector.shape_cast %get3A_338 : vector<1x16xf32> to vector<16xf32>
        %mul3A_340 = vector.broadcast %squeeze3A_324 : f32 to vector<16xf32>
        %mul3A_341 = arith.mulf %get3A_339, %mul3A_340 : vector<16xf32>
        %swap3A_342 = arith.index_cast %add3A_322 : i32 to index
        %swap3A_343 = arith.constant 16 : index
        %swap3A_344 = tpu.vector_load %arg13[%swap3A_342, %swap3A_343] {strides = array<i32>} : memref<128x32xf32, #tpu.memory_space<vmem>>, vector<1x16xf32>,
        %swap3A_345 = vector.shape_cast %swap3A_344 : vector<1x16xf32> to vector<16xf32>
        %swap3A_346 = vector.shape_cast %mul3A_341 : vector<16xf32> to vector<1x16xf32>
        tpu.vector_store %arg13[%swap3A_342, %swap3A_343], %swap3A_346 {strides = array<i32>} : memref<128x32xf32, #tpu.memory_space<vmem>>, vector<1x16xf32>,
        %mul3A_347 = arith.constant 16 : i32
        %mul3A_348 = arith.muli %scan3A_91, %mul3A_347 : i32
        %add3A_349 = arith.constant 9 : i32
        %add3A_350 = arith.addi %mul3A_348, %add3A_349 : i32
        %slice3A_351 = vector.extract_strided_slice %get3A_97 {offsets = [9], sizes = [1], strides = [1]} : vector<16xf32> to vector<1xf32>
        %squeeze3A_352 = vector.extract %slice3A_351[0] : f32 from vector<1xf32>
        %get3A_353 = arith.index_cast %add3A_350 : i32 to index
        %get3A_354 = arith.constant 0 : index
        %get3A_355 = tpu.vector_load %arg11[%get3A_353, %get3A_354] {strides = array<i32>} : memref<128x32xf32, #tpu.memory_space<vmem>>, vector<1x16xf32>,
        %get3A_356 = vector.shape_cast %get3A_355 : vector<1x16xf32> to vector<16xf32>
        %mul3A_357 = vector.broadcast %squeeze3A_352 : f32 to vector<16xf32>
        %mul3A_358 = arith.mulf %get3A_356, %mul3A_357 : vector<16xf32>
        %swap3A_359 = arith.index_cast %add3A_350 : i32 to index
        %swap3A_360 = arith.constant 0 : index
        %swap3A_361 = tpu.vector_load %arg13[%swap3A_359, %swap3A_360] {strides = array<i32>} : memref<128x32xf32, #tpu.memory_space<vmem>>, vector<1x16xf32>,
        %swap3A_362 = vector.shape_cast %swap3A_361 : vector<1x16xf32> to vector<16xf32>
        %swap3A_363 = vector.shape_cast %mul3A_358 : vector<16xf32> to vector<1x16xf32>
        tpu.vector_store %arg13[%swap3A_359, %swap3A_360], %swap3A_363 {strides = array<i32>} : memref<128x32xf32, #tpu.memory_space<vmem>>, vector<1x16xf32>,
        %get3A_364 = arith.index_cast %add3A_350 : i32 to index
        %get3A_365 = arith.constant 16 : index
        %get3A_366 = tpu.vector_load %arg11[%get3A_364, %get3A_365] {strides = array<i32>} : memref<128x32xf32, #tpu.memory_space<vmem>>, vector<1x16xf32>,
        %get3A_367 = vector.shape_cast %get3A_366 : vector<1x16xf32> to vector<16xf32>
        %mul3A_368 = vector.broadcast %squeeze3A_352 : f32 to vector<16xf32>
        %mul3A_369 = arith.mulf %get3A_367, %mul3A_368 : vector<16xf32>
        %swap3A_370 = arith.index_cast %add3A_350 : i32 to index
        %swap3A_371 = arith.constant 16 : index
        %swap3A_372 = tpu.vector_load %arg13[%swap3A_370, %swap3A_371] {strides = array<i32>} : memref<128x32xf32, #tpu.memory_space<vmem>>, vector<1x16xf32>,
        %swap3A_373 = vector.shape_cast %swap3A_372 : vector<1x16xf32> to vector<16xf32>
        %swap3A_374 = vector.shape_cast %mul3A_369 : vector<16xf32> to vector<1x16xf32>
        tpu.vector_store %arg13[%swap3A_370, %swap3A_371], %swap3A_374 {strides = array<i32>} : memref<128x32xf32, #tpu.memory_space<vmem>>, vector<1x16xf32>,
        %mul3A_375 = arith.constant 16 : i32
        %mul3A_376 = arith.muli %scan3A_91, %mul3A_375 : i32
        %add3A_377 = arith.constant 10 : i32
        %add3A_378 = arith.addi %mul3A_376, %add3A_377 : i32
        %slice3A_379 = vector.extract_strided_slice %get3A_97 {offsets = [10], sizes = [1], strides = [1]} : vector<16xf32> to vector<1xf32>
        %squeeze3A_380 = vector.extract %slice3A_379[0] : f32 from vector<1xf32>
        %get3A_381 = arith.index_cast %add3A_378 : i32 to index
        %get3A_382 = arith.constant 0 : index
        %get3A_383 = tpu.vector_load %arg11[%get3A_381, %get3A_382] {strides = array<i32>} : memref<128x32xf32, #tpu.memory_space<vmem>>, vector<1x16xf32>,
        %get3A_384 = vector.shape_cast %get3A_383 : vector<1x16xf32> to vector<16xf32>
        %mul3A_385 = vector.broadcast %squeeze3A_380 : f32 to vector<16xf32>
        %mul3A_386 = arith.mulf %get3A_384, %mul3A_385 : vector<16xf32>
        %swap3A_387 = arith.index_cast %add3A_378 : i32 to index
        %swap3A_388 = arith.constant 0 : index
        %swap3A_389 = tpu.vector_load %arg13[%swap3A_387, %swap3A_388] {strides = array<i32>} : memref<128x32xf32, #tpu.memory_space<vmem>>, vector<1x16xf32>,
        %swap3A_390 = vector.shape_cast %swap3A_389 : vector<1x16xf32> to vector<16xf32>
        %swap3A_391 = vector.shape_cast %mul3A_386 : vector<16xf32> to vector<1x16xf32>
        tpu.vector_store %arg13[%swap3A_387, %swap3A_388], %swap3A_391 {strides = array<i32>} : memref<128x32xf32, #tpu.memory_space<vmem>>, vector<1x16xf32>,
        %get3A_392 = arith.index_cast %add3A_378 : i32 to index
        %get3A_393 = arith.constant 16 : index
        %get3A_394 = tpu.vector_load %arg11[%get3A_392, %get3A_393] {strides = array<i32>} : memref<128x32xf32, #tpu.memory_space<vmem>>, vector<1x16xf32>,
        %get3A_395 = vector.shape_cast %get3A_394 : vector<1x16xf32> to vector<16xf32>
        %mul3A_396 = vector.broadcast %squeeze3A_380 : f32 to vector<16xf32>
        %mul3A_397 = arith.mulf %get3A_395, %mul3A_396 : vector<16xf32>
        %swap3A_398 = arith.index_cast %add3A_378 : i32 to index
        %swap3A_399 = arith.constant 16 : index
        %swap3A_400 = tpu.vector_load %arg13[%swap3A_398, %swap3A_399] {strides = array<i32>} : memref<128x32xf32, #tpu.memory_space<vmem>>, vector<1x16xf32>,
        %swap3A_401 = vector.shape_cast %swap3A_400 : vector<1x16xf32> to vector<16xf32>
        %swap3A_402 = vector.shape_cast %mul3A_397 : vector<16xf32> to vector<1x16xf32>
        tpu.vector_store %arg13[%swap3A_398, %swap3A_399], %swap3A_402 {strides = array<i32>} : memref<128x32xf32, #tpu.memory_space<vmem>>, vector<1x16xf32>,
        %mul3A_403 = arith.constant 16 : i32
        %mul3A_404 = arith.muli %scan3A_91, %mul3A_403 : i32
        %add3A_405 = arith.constant 11 : i32
        %add3A_406 = arith.addi %mul3A_404, %add3A_405 : i32
        %slice3A_407 = vector.extract_strided_slice %get3A_97 {offsets = [11], sizes = [1], strides = [1]} : vector<16xf32> to vector<1xf32>
        %squeeze3A_408 = vector.extract %slice3A_407[0] : f32 from vector<1xf32>
        %get3A_409 = arith.index_cast %add3A_406 : i32 to index
        %get3A_410 = arith.constant 0 : index
        %get3A_411 = tpu.vector_load %arg11[%get3A_409, %get3A_410] {strides = array<i32>} : memref<128x32xf32, #tpu.memory_space<vmem>>, vector<1x16xf32>,
        %get3A_412 = vector.shape_cast %get3A_411 : vector<1x16xf32> to vector<16xf32>
        %mul3A_413 = vector.broadcast %squeeze3A_408 : f32 to vector<16xf32>
        %mul3A_414 = arith.mulf %get3A_412, %mul3A_413 : vector<16xf32>
        %swap3A_415 = arith.index_cast %add3A_406 : i32 to index
        %swap3A_416 = arith.constant 0 : index
        %swap3A_417 = tpu.vector_load %arg13[%swap3A_415, %swap3A_416] {strides = array<i32>} : memref<128x32xf32, #tpu.memory_space<vmem>>, vector<1x16xf32>,
        %swap3A_418 = vector.shape_cast %swap3A_417 : vector<1x16xf32> to vector<16xf32>
        %swap3A_419 = vector.shape_cast %mul3A_414 : vector<16xf32> to vector<1x16xf32>
        tpu.vector_store %arg13[%swap3A_415, %swap3A_416], %swap3A_419 {strides = array<i32>} : memref<128x32xf32, #tpu.memory_space<vmem>>, vector<1x16xf32>,
        %get3A_420 = arith.index_cast %add3A_406 : i32 to index
        %get3A_421 = arith.constant 16 : index
        %get3A_422 = tpu.vector_load %arg11[%get3A_420, %get3A_421] {strides = array<i32>} : memref<128x32xf32, #tpu.memory_space<vmem>>, vector<1x16xf32>,
        %get3A_423 = vector.shape_cast %get3A_422 : vector<1x16xf32> to vector<16xf32>
        %mul3A_424 = vector.broadcast %squeeze3A_408 : f32 to vector<16xf32>
        %mul3A_425 = arith.mulf %get3A_423, %mul3A_424 : vector<16xf32>
        %swap3A_426 = arith.index_cast %add3A_406 : i32 to index
        %swap3A_427 = arith.constant 16 : index
        %swap3A_428 = tpu.vector_load %arg13[%swap3A_426, %swap3A_427] {strides = array<i32>} : memref<128x32xf32, #tpu.memory_space<vmem>>, vector<1x16xf32>,
        %swap3A_429 = vector.shape_cast %swap3A_428 : vector<1x16xf32> to vector<16xf32>
        %swap3A_430 = vector.shape_cast %mul3A_425 : vector<16xf32> to vector<1x16xf32>
        tpu.vector_store %arg13[%swap3A_426, %swap3A_427], %swap3A_430 {strides = array<i32>} : memref<128x32xf32, #tpu.memory_space<vmem>>, vector<1x16xf32>,
        %mul3A_431 = arith.constant 16 : i32
        %mul3A_432 = arith.muli %scan3A_91, %mul3A_431 : i32
        %add3A_433 = arith.constant 12 : i32
        %add3A_434 = arith.addi %mul3A_432, %add3A_433 : i32
        %slice3A_435 = vector.extract_strided_slice %get3A_97 {offsets = [12], sizes = [1], strides = [1]} : vector<16xf32> to vector<1xf32>
        %squeeze3A_436 = vector.extract %slice3A_435[0] : f32 from vector<1xf32>
        %get3A_437 = arith.index_cast %add3A_434 : i32 to index
        %get3A_438 = arith.constant 0 : index
        %get3A_439 = tpu.vector_load %arg11[%get3A_437, %get3A_438] {strides = array<i32>} : memref<128x32xf32, #tpu.memory_space<vmem>>, vector<1x16xf32>,
        %get3A_440 = vector.shape_cast %get3A_439 : vector<1x16xf32> to vector<16xf32>
        %mul3A_441 = vector.broadcast %squeeze3A_436 : f32 to vector<16xf32>
        %mul3A_442 = arith.mulf %get3A_440, %mul3A_441 : vector<16xf32>
        %swap3A_443 = arith.index_cast %add3A_434 : i32 to index
        %swap3A_444 = arith.constant 0 : index
        %swap3A_445 = tpu.vector_load %arg13[%swap3A_443, %swap3A_444] {strides = array<i32>} : memref<128x32xf32, #tpu.memory_space<vmem>>, vector<1x16xf32>,
        %swap3A_446 = vector.shape_cast %swap3A_445 : vector<1x16xf32> to vector<16xf32>
        %swap3A_447 = vector.shape_cast %mul3A_442 : vector<16xf32> to vector<1x16xf32>
        tpu.vector_store %arg13[%swap3A_443, %swap3A_444], %swap3A_447 {strides = array<i32>} : memref<128x32xf32, #tpu.memory_space<vmem>>, vector<1x16xf32>,
        %get3A_448 = arith.index_cast %add3A_434 : i32 to index
        %get3A_449 = arith.constant 16 : index
        %get3A_450 = tpu.vector_load %arg11[%get3A_448, %get3A_449] {strides = array<i32>} : memref<128x32xf32, #tpu.memory_space<vmem>>, vector<1x16xf32>,
        %get3A_451 = vector.shape_cast %get3A_450 : vector<1x16xf32> to vector<16xf32>
        %mul3A_452 = vector.broadcast %squeeze3A_436 : f32 to vector<16xf32>
        %mul3A_453 = arith.mulf %get3A_451, %mul3A_452 : vector<16xf32>
        %swap3A_454 = arith.index_cast %add3A_434 : i32 to index
        %swap3A_455 = arith.constant 16 : index
        %swap3A_456 = tpu.vector_load %arg13[%swap3A_454, %swap3A_455] {strides = array<i32>} : memref<128x32xf32, #tpu.memory_space<vmem>>, vector<1x16xf32>,
        %swap3A_457 = vector.shape_cast %swap3A_456 : vector<1x16xf32> to vector<16xf32>
        %swap3A_458 = vector.shape_cast %mul3A_453 : vector<16xf32> to vector<1x16xf32>
        tpu.vector_store %arg13[%swap3A_454, %swap3A_455], %swap3A_458 {strides = array<i32>} : memref<128x32xf32, #tpu.memory_space<vmem>>, vector<1x16xf32>,
        %mul3A_459 = arith.constant 16 : i32
        %mul3A_460 = arith.muli %scan3A_91, %mul3A_459 : i32
        %add3A_461 = arith.constant 13 : i32
        %add3A_462 = arith.addi %mul3A_460, %add3A_461 : i32
        %slice3A_463 = vector.extract_strided_slice %get3A_97 {offsets = [13], sizes = [1], strides = [1]} : vector<16xf32> to vector<1xf32>
        %squeeze3A_464 = vector.extract %slice3A_463[0] : f32 from vector<1xf32>
        %get3A_465 = arith.index_cast %add3A_462 : i32 to index
        %get3A_466 = arith.constant 0 : index
        %get3A_467 = tpu.vector_load %arg11[%get3A_465, %get3A_466] {strides = array<i32>} : memref<128x32xf32, #tpu.memory_space<vmem>>, vector<1x16xf32>,
        %get3A_468 = vector.shape_cast %get3A_467 : vector<1x16xf32> to vector<16xf32>
        %mul3A_469 = vector.broadcast %squeeze3A_464 : f32 to vector<16xf32>
        %mul3A_470 = arith.mulf %get3A_468, %mul3A_469 : vector<16xf32>
        %swap3A_471 = arith.index_cast %add3A_462 : i32 to index
        %swap3A_472 = arith.constant 0 : index
        %swap3A_473 = tpu.vector_load %arg13[%swap3A_471, %swap3A_472] {strides = array<i32>} : memref<128x32xf32, #tpu.memory_space<vmem>>, vector<1x16xf32>,
        %swap3A_474 = vector.shape_cast %swap3A_473 : vector<1x16xf32> to vector<16xf32>
        %swap3A_475 = vector.shape_cast %mul3A_470 : vector<16xf32> to vector<1x16xf32>
        tpu.vector_store %arg13[%swap3A_471, %swap3A_472], %swap3A_475 {strides = array<i32>} : memref<128x32xf32, #tpu.memory_space<vmem>>, vector<1x16xf32>,
        %get3A_476 = arith.index_cast %add3A_462 : i32 to index
        %get3A_477 = arith.constant 16 : index
        %get3A_478 = tpu.vector_load %arg11[%get3A_476, %get3A_477] {strides = array<i32>} : memref<128x32xf32, #tpu.memory_space<vmem>>, vector<1x16xf32>,
        %get3A_479 = vector.shape_cast %get3A_478 : vector<1x16xf32> to vector<16xf32>
        %mul3A_480 = vector.broadcast %squeeze3A_464 : f32 to vector<16xf32>
        %mul3A_481 = arith.mulf %get3A_479, %mul3A_480 : vector<16xf32>
        %swap3A_482 = arith.index_cast %add3A_462 : i32 to index
        %swap3A_483 = arith.constant 16 : index
        %swap3A_484 = tpu.vector_load %arg13[%swap3A_482, %swap3A_483] {strides = array<i32>} : memref<128x32xf32, #tpu.memory_space<vmem>>, vector<1x16xf32>,
        %swap3A_485 = vector.shape_cast %swap3A_484 : vector<1x16xf32> to vector<16xf32>
        %swap3A_486 = vector.shape_cast %mul3A_481 : vector<16xf32> to vector<1x16xf32>
        tpu.vector_store %arg13[%swap3A_482, %swap3A_483], %swap3A_486 {strides = array<i32>} : memref<128x32xf32, #tpu.memory_space<vmem>>, vector<1x16xf32>,
        %mul3A_487 = arith.constant 16 : i32
        %mul3A_488 = arith.muli %scan3A_91, %mul3A_487 : i32
        %add3A_489 = arith.constant 14 : i32
        %add3A_490 = arith.addi %mul3A_488, %add3A_489 : i32
        %slice3A_491 = vector.extract_strided_slice %get3A_97 {offsets = [14], sizes = [1], strides = [1]} : vector<16xf32> to vector<1xf32>
        %squeeze3A_492 = vector.extract %slice3A_491[0] : f32 from vector<1xf32>
        %get3A_493 = arith.index_cast %add3A_490 : i32 to index
        %get3A_494 = arith.constant 0 : index
        %get3A_495 = tpu.vector_load %arg11[%get3A_493, %get3A_494] {strides = array<i32>} : memref<128x32xf32, #tpu.memory_space<vmem>>, vector<1x16xf32>,
        %get3A_496 = vector.shape_cast %get3A_495 : vector<1x16xf32> to vector<16xf32>
        %mul3A_497 = vector.broadcast %squeeze3A_492 : f32 to vector<16xf32>
        %mul3A_498 = arith.mulf %get3A_496, %mul3A_497 : vector<16xf32>
        %swap3A_499 = arith.index_cast %add3A_490 : i32 to index
        %swap3A_500 = arith.constant 0 : index
        %swap3A_501 = tpu.vector_load %arg13[%swap3A_499, %swap3A_500] {strides = array<i32>} : memref<128x32xf32, #tpu.memory_space<vmem>>, vector<1x16xf32>,
        %swap3A_502 = vector.shape_cast %swap3A_501 : vector<1x16xf32> to vector<16xf32>
        %swap3A_503 = vector.shape_cast %mul3A_498 : vector<16xf32> to vector<1x16xf32>
        tpu.vector_store %arg13[%swap3A_499, %swap3A_500], %swap3A_503 {strides = array<i32>} : memref<128x32xf32, #tpu.memory_space<vmem>>, vector<1x16xf32>,
        %get3A_504 = arith.index_cast %add3A_490 : i32 to index
        %get3A_505 = arith.constant 16 : index
        %get3A_506 = tpu.vector_load %arg11[%get3A_504, %get3A_505] {strides = array<i32>} : memref<128x32xf32, #tpu.memory_space<vmem>>, vector<1x16xf32>,
        %get3A_507 = vector.shape_cast %get3A_506 : vector<1x16xf32> to vector<16xf32>
        %mul3A_508 = vector.broadcast %squeeze3A_492 : f32 to vector<16xf32>
        %mul3A_509 = arith.mulf %get3A_507, %mul3A_508 : vector<16xf32>
        %swap3A_510 = arith.index_cast %add3A_490 : i32 to index
        %swap3A_511 = arith.constant 16 : index
        %swap3A_512 = tpu.vector_load %arg13[%swap3A_510, %swap3A_511] {strides = array<i32>} : memref<128x32xf32, #tpu.memory_space<vmem>>, vector<1x16xf32>,
        %swap3A_513 = vector.shape_cast %swap3A_512 : vector<1x16xf32> to vector<16xf32>
        %swap3A_514 = vector.shape_cast %mul3A_509 : vector<16xf32> to vector<1x16xf32>
        tpu.vector_store %arg13[%swap3A_510, %swap3A_511], %swap3A_514 {strides = array<i32>} : memref<128x32xf32, #tpu.memory_space<vmem>>, vector<1x16xf32>,
        %mul3A_515 = arith.constant 16 : i32
        %mul3A_516 = arith.muli %scan3A_91, %mul3A_515 : i32
        %add3A_517 = arith.constant 15 : i32
        %add3A_518 = arith.addi %mul3A_516, %add3A_517 : i32
        %slice3A_519 = vector.extract_strided_slice %get3A_97 {offsets = [15], sizes = [1], strides = [1]} : vector<16xf32> to vector<1xf32>
        %squeeze3A_520 = vector.extract %slice3A_519[0] : f32 from vector<1xf32>
        %get3A_521 = arith.index_cast %add3A_518 : i32 to index
        %get3A_522 = arith.constant 0 : index
        %get3A_523 = tpu.vector_load %arg11[%get3A_521, %get3A_522] {strides = array<i32>} : memref<128x32xf32, #tpu.memory_space<vmem>>, vector<1x16xf32>,
        %get3A_524 = vector.shape_cast %get3A_523 : vector<1x16xf32> to vector<16xf32>
        %mul3A_525 = vector.broadcast %squeeze3A_520 : f32 to vector<16xf32>
        %mul3A_526 = arith.mulf %get3A_524, %mul3A_525 : vector<16xf32>
        %swap3A_527 = arith.index_cast %add3A_518 : i32 to index
        %swap3A_528 = arith.constant 0 : index
        %swap3A_529 = tpu.vector_load %arg13[%swap3A_527, %swap3A_528] {strides = array<i32>} : memref<128x32xf32, #tpu.memory_space<vmem>>, vector<1x16xf32>,
        %swap3A_530 = vector.shape_cast %swap3A_529 : vector<1x16xf32> to vector<16xf32>
        %swap3A_531 = vector.shape_cast %mul3A_526 : vector<16xf32> to vector<1x16xf32>
        tpu.vector_store %arg13[%swap3A_527, %swap3A_528], %swap3A_531 {strides = array<i32>} : memref<128x32xf32, #tpu.memory_space<vmem>>, vector<1x16xf32>,
        %get3A_532 = arith.index_cast %add3A_518 : i32 to index
        %get3A_533 = arith.constant 16 : index
        %get3A_534 = tpu.vector_load %arg11[%get3A_532, %get3A_533] {strides = array<i32>} : memref<128x32xf32, #tpu.memory_space<vmem>>, vector<1x16xf32>,
        %get3A_535 = vector.shape_cast %get3A_534 : vector<1x16xf32> to vector<16xf32>
        %mul3A_536 = vector.broadcast %squeeze3A_520 : f32 to vector<16xf32>
        %mul3A_537 = arith.mulf %get3A_535, %mul3A_536 : vector<16xf32>
        %swap3A_538 = arith.index_cast %add3A_518 : i32 to index
        %swap3A_539 = arith.constant 16 : index
        %swap3A_540 = tpu.vector_load %arg13[%swap3A_538, %swap3A_539] {strides = array<i32>} : memref<128x32xf32, #tpu.memory_space<vmem>>, vector<1x16xf32>,
        %swap3A_541 = vector.shape_cast %swap3A_540 : vector<1x16xf32> to vector<16xf32>
        %swap3A_542 = vector.shape_cast %mul3A_537 : vector<16xf32> to vector<1x16xf32>
        tpu.vector_store %arg13[%swap3A_538, %swap3A_539], %swap3A_542 {strides = array<i32>} : memref<128x32xf32, #tpu.memory_space<vmem>>, vector<1x16xf32>,
        %scan3A_543 = arith.constant 0 : i32
        scf.yield %scan3A_543 : i32
      }
      %scan3A_61 = arith.constant 8 : i32
      %add3A_62 = arith.constant 2 : i32
      %add3A_63 = arith.addi %mul3A_49, %add3A_62 : i32
      %lt3A = arith.constant 26 : i32
      %lt3A_64 = arith.cmpi slt, %add3A_63, %lt3A : i32
      %convert_element_type3A = arith.extui %lt3A_64 : i1 to i32
      %cond3A = arith.constant 0 : i32
      %cond3A_65 = arith.cmpi ne, %convert_element_type3A, %cond3A : i32
      scf.if %cond3A_65 {
        %add3A_91 = arith.constant 2 : i32
        %add3A_92 = arith.addi %mul3A_49, %add3A_91 : i32
        %dma_start3A_93 = arith.constant 0 : i32
        %dma_start3A_94 = tpu.memref_slice %arg8[%add3A_92, %dma_start3A_93] : memref<26x128xi32, #tpu.memory_space<vmem>> -> memref<1x128xi32, #tpu.memory_space<vmem>>
        %dma_start3A_95 = tpu.memref_squeeze %dma_start3A_94 : memref<1x128xi32, #tpu.memory_space<vmem>> -> memref<128xi32, #tpu.memory_space<vmem>>
        %dma_start3A_96 = arith.constant 0 : i32
        %dma_start3A_97 = arith.constant 0 : i32
        %dma_start3A_98 = tpu.memref_slice %arg5[%dma_start3A_96, %dma_start3A_97] : memref<1015808x32xf32, #tpu.memory_space<hbm>> -> memref<1015808x32xf32, #tpu.memory_space<hbm>>
        tpu.enqueue_indirect_dma source(%dma_start3A_98 : memref<1015808x32xf32, #tpu.memory_space<hbm>>) target(%arg11 : memref<128x32xf32, #tpu.memory_space<vmem>>) offsets(%dma_start3A_95 : memref<128xi32, #tpu.memory_space<vmem>>) semaphore(%arg16 : memref<!tpu.dma_semaphore, #tpu.memory_space<semaphore_mem>>)
      } else {
      }
      "tpu.region"() ({
        %run_scoped3A = tpu.sem_alloc : memref<!tpu.dma_semaphore, #tpu.memory_space<semaphore_mem>>
        %dma_start3A_91 = arith.constant 0 : i32
        %dma_start3A_92 = tpu.memref_slice %arg9[%mul3A_49, %dma_start3A_91] : memref<26x128xi32, #tpu.memory_space<vmem>> -> memref<1x128xi32, #tpu.memory_space<vmem>>
        %dma_start3A_93 = tpu.memref_squeeze %dma_start3A_92 : memref<1x128xi32, #tpu.memory_space<vmem>> -> memref<128xi32, #tpu.memory_space<vmem>>
        %dma_start3A_94 = arith.constant 0 : i32
        %dma_start3A_95 = arith.constant 0 : i32
        %dma_start3A_96 = tpu.memref_slice %arg15[%dma_start3A_94, %dma_start3A_95] : memref<4096x32xf32, #tpu.memory_space<vmem_shared>> -> memref<4096x32xf32, #tpu.memory_space<vmem_shared>>
        tpu.enqueue_indirect_dma source(%arg13 : memref<128x32xf32, #tpu.memory_space<vmem>>) target(%dma_start3A_96 : memref<4096x32xf32, #tpu.memory_space<vmem_shared>>) offsets(%dma_start3A_93 : memref<128xi32, #tpu.memory_space<vmem>>) semaphore(%run_scoped3A : memref<!tpu.dma_semaphore, #tpu.memory_space<semaphore_mem>>) {add = true}
        %dma_wait3A_97 = arith.constant 0 : i32
        %dma_wait3A_98 = tpu.memref_slice %arg9[%mul3A_49, %dma_wait3A_97] : memref<26x128xi32, #tpu.memory_space<vmem>> -> memref<1x128xi32, #tpu.memory_space<vmem>>
        %dma_wait3A_99 = tpu.memref_squeeze %dma_wait3A_98 : memref<1x128xi32, #tpu.memory_space<vmem>> -> memref<128xi32, #tpu.memory_space<vmem>>
        %dma_wait3A_100 = arith.constant 0 : i32
        %dma_wait3A_101 = arith.constant 0 : i32
        %dma_wait3A_102 = tpu.memref_slice %arg15[%dma_wait3A_100, %dma_wait3A_101] : memref<4096x32xf32, #tpu.memory_space<vmem_shared>> -> memref<4096x32xf32, #tpu.memory_space<vmem_shared>>
        tpu.wait_indirect_dma semaphore(%run_scoped3A : memref<!tpu.dma_semaphore, #tpu.memory_space<semaphore_mem>>) src(%arg13 : memref<128x32xf32, #tpu.memory_space<vmem>>) dst(%dma_wait3A_102 : memref<4096x32xf32, #tpu.memory_space<vmem_shared>>)
        tpu.yield
      }) : () -> ()
      %mul3A_66 = arith.constant 2 : i32
      %mul3A_67 = arith.muli %scan3A_46, %mul3A_66 : i32
      %add3A_68 = arith.constant 1 : i32
      %add3A_69 = arith.addi %mul3A_67, %add3A_68 : i32
      %dma_wait3A_70 = arith.constant 0 : i32
      %dma_wait3A_71 = tpu.memref_slice %arg8[%add3A_69, %dma_wait3A_70] : memref<26x128xi32, #tpu.memory_space<vmem>> -> memref<1x128xi32, #tpu.memory_space<vmem>>
      %dma_wait3A_72 = tpu.memref_squeeze %dma_wait3A_71 : memref<1x128xi32, #tpu.memory_space<vmem>> -> memref<128xi32, #tpu.memory_space<vmem>>
      %dma_wait3A_73 = arith.constant 0 : i32
      %dma_wait3A_74 = arith.constant 0 : i32
      %dma_wait3A_75 = tpu.memref_slice %arg5[%dma_wait3A_73, %dma_wait3A_74] : memref<1015808x32xf32, #tpu.memory_space<hbm>> -> memref<1015808x32xf32, #tpu.memory_space<hbm>>
      tpu.wait_indirect_dma semaphore(%arg17 : memref<!tpu.dma_semaphore, #tpu.memory_space<semaphore_mem>>) src(%dma_wait3A_75 : memref<1015808x32xf32, #tpu.memory_space<hbm>>) dst(%arg12 : memref<128x32xf32, #tpu.memory_space<vmem>>)
      %scan3A_76 = arith.constant 0 : i32
      %scan3A_77 = arith.constant 0 : i32
      %scan3A_78 = arith.constant 8 : i32
      %scan3A_79 = arith.addi %scan3A_77, %scan3A_78 : i32
      %scan3A_80 = arith.constant 1 : i32
      %scan3A_81 = scf.for %scan3A_91 = %scan3A_77 to %scan3A_79 step %scan3A_80 iter_args(%scan3A_92 = %scan3A_76) -> (i32)  : i32 {
        %mul3A_93 = arith.constant 16 : i32
        %mul3A_94 = arith.muli %scan3A_91, %mul3A_93 : i32
        %get3A = arith.index_cast %add3A_69 : i32 to index
        %get3A_95 = arith.index_cast %mul3A_94 : i32 to index
        %get3A_96 = tpu.vector_load %arg10[%get3A, %get3A_95] {strides = array<i32>} : memref<26x128xf32, #tpu.memory_space<vmem>>, vector<1x16xf32>,
        %get3A_97 = vector.shape_cast %get3A_96 : vector<1x16xf32> to vector<16xf32>
        %mul3A_98 = arith.constant 16 : i32
        %mul3A_99 = arith.muli %scan3A_91, %mul3A_98 : i32
        %add3A_100 = arith.constant 0 : i32
        %add3A_101 = arith.addi %mul3A_99, %add3A_100 : i32
        %slice3A = vector.extract_strided_slice %get3A_97 {offsets = [0], sizes = [1], strides = [1]} : vector<16xf32> to vector<1xf32>
        %squeeze3A = vector.extract %slice3A[0] : f32 from vector<1xf32>
        %get3A_102 = arith.index_cast %add3A_101 : i32 to index
        %get3A_103 = arith.constant 0 : index
        %get3A_104 = tpu.vector_load %arg12[%get3A_102, %get3A_103] {strides = array<i32>} : memref<128x32xf32, #tpu.memory_space<vmem>>, vector<1x16xf32>,
        %get3A_105 = vector.shape_cast %get3A_104 : vector<1x16xf32> to vector<16xf32>
        %mul3A_106 = vector.broadcast %squeeze3A : f32 to vector<16xf32>
        %mul3A_107 = arith.mulf %get3A_105, %mul3A_106 : vector<16xf32>
        %swap3A = arith.index_cast %add3A_101 : i32 to index
        %swap3A_108 = arith.constant 0 : index
        %swap3A_109 = tpu.vector_load %arg14[%swap3A, %swap3A_108] {strides = array<i32>} : memref<128x32xf32, #tpu.memory_space<vmem>>, vector<1x16xf32>,
        %swap3A_110 = vector.shape_cast %swap3A_109 : vector<1x16xf32> to vector<16xf32>
        %swap3A_111 = vector.shape_cast %mul3A_107 : vector<16xf32> to vector<1x16xf32>
        tpu.vector_store %arg14[%swap3A, %swap3A_108], %swap3A_111 {strides = array<i32>} : memref<128x32xf32, #tpu.memory_space<vmem>>, vector<1x16xf32>,
        %get3A_112 = arith.index_cast %add3A_101 : i32 to index
        %get3A_113 = arith.constant 16 : index
        %get3A_114 = tpu.vector_load %arg12[%get3A_112, %get3A_113] {strides = array<i32>} : memref<128x32xf32, #tpu.memory_space<vmem>>, vector<1x16xf32>,
        %get3A_115 = vector.shape_cast %get3A_114 : vector<1x16xf32> to vector<16xf32>
        %mul3A_116 = vector.broadcast %squeeze3A : f32 to vector<16xf32>
        %mul3A_117 = arith.mulf %get3A_115, %mul3A_116 : vector<16xf32>
        %swap3A_118 = arith.index_cast %add3A_101 : i32 to index
        %swap3A_119 = arith.constant 16 : index
        %swap3A_120 = tpu.vector_load %arg14[%swap3A_118, %swap3A_119] {strides = array<i32>} : memref<128x32xf32, #tpu.memory_space<vmem>>, vector<1x16xf32>,
        %swap3A_121 = vector.shape_cast %swap3A_120 : vector<1x16xf32> to vector<16xf32>
        %swap3A_122 = vector.shape_cast %mul3A_117 : vector<16xf32> to vector<1x16xf32>
        tpu.vector_store %arg14[%swap3A_118, %swap3A_119], %swap3A_122 {strides = array<i32>} : memref<128x32xf32, #tpu.memory_space<vmem>>, vector<1x16xf32>,
        %mul3A_123 = arith.constant 16 : i32
        %mul3A_124 = arith.muli %scan3A_91, %mul3A_123 : i32
        %add3A_125 = arith.constant 1 : i32
        %add3A_126 = arith.addi %mul3A_124, %add3A_125 : i32
        %slice3A_127 = vector.extract_strided_slice %get3A_97 {offsets = [1], sizes = [1], strides = [1]} : vector<16xf32> to vector<1xf32>
        %squeeze3A_128 = vector.extract %slice3A_127[0] : f32 from vector<1xf32>
        %get3A_129 = arith.index_cast %add3A_126 : i32 to index
        %get3A_130 = arith.constant 0 : index
        %get3A_131 = tpu.vector_load %arg12[%get3A_129, %get3A_130] {strides = array<i32>} : memref<128x32xf32, #tpu.memory_space<vmem>>, vector<1x16xf32>,
        %get3A_132 = vector.shape_cast %get3A_131 : vector<1x16xf32> to vector<16xf32>
        %mul3A_133 = vector.broadcast %squeeze3A_128 : f32 to vector<16xf32>
        %mul3A_134 = arith.mulf %get3A_132, %mul3A_133 : vector<16xf32>
        %swap3A_135 = arith.index_cast %add3A_126 : i32 to index
        %swap3A_136 = arith.constant 0 : index
        %swap3A_137 = tpu.vector_load %arg14[%swap3A_135, %swap3A_136] {strides = array<i32>} : memref<128x32xf32, #tpu.memory_space<vmem>>, vector<1x16xf32>,
        %swap3A_138 = vector.shape_cast %swap3A_137 : vector<1x16xf32> to vector<16xf32>
        %swap3A_139 = vector.shape_cast %mul3A_134 : vector<16xf32> to vector<1x16xf32>
        tpu.vector_store %arg14[%swap3A_135, %swap3A_136], %swap3A_139 {strides = array<i32>} : memref<128x32xf32, #tpu.memory_space<vmem>>, vector<1x16xf32>,
        %get3A_140 = arith.index_cast %add3A_126 : i32 to index
        %get3A_141 = arith.constant 16 : index
        %get3A_142 = tpu.vector_load %arg12[%get3A_140, %get3A_141] {strides = array<i32>} : memref<128x32xf32, #tpu.memory_space<vmem>>, vector<1x16xf32>,
        %get3A_143 = vector.shape_cast %get3A_142 : vector<1x16xf32> to vector<16xf32>
        %mul3A_144 = vector.broadcast %squeeze3A_128 : f32 to vector<16xf32>
        %mul3A_145 = arith.mulf %get3A_143, %mul3A_144 : vector<16xf32>
        %swap3A_146 = arith.index_cast %add3A_126 : i32 to index
        %swap3A_147 = arith.constant 16 : index
        %swap3A_148 = tpu.vector_load %arg14[%swap3A_146, %swap3A_147] {strides = array<i32>} : memref<128x32xf32, #tpu.memory_space<vmem>>, vector<1x16xf32>,
        %swap3A_149 = vector.shape_cast %swap3A_148 : vector<1x16xf32> to vector<16xf32>
        %swap3A_150 = vector.shape_cast %mul3A_145 : vector<16xf32> to vector<1x16xf32>
        tpu.vector_store %arg14[%swap3A_146, %swap3A_147], %swap3A_150 {strides = array<i32>} : memref<128x32xf32, #tpu.memory_space<vmem>>, vector<1x16xf32>,
        %mul3A_151 = arith.constant 16 : i32
        %mul3A_152 = arith.muli %scan3A_91, %mul3A_151 : i32
        %add3A_153 = arith.constant 2 : i32
        %add3A_154 = arith.addi %mul3A_152, %add3A_153 : i32
        %slice3A_155 = vector.extract_strided_slice %get3A_97 {offsets = [2], sizes = [1], strides = [1]} : vector<16xf32> to vector<1xf32>
        %squeeze3A_156 = vector.extract %slice3A_155[0] : f32 from vector<1xf32>
        %get3A_157 = arith.index_cast %add3A_154 : i32 to index
        %get3A_158 = arith.constant 0 : index
        %get3A_159 = tpu.vector_load %arg12[%get3A_157, %get3A_158] {strides = array<i32>} : memref<128x32xf32, #tpu.memory_space<vmem>>, vector<1x16xf32>,
        %get3A_160 = vector.shape_cast %get3A_159 : vector<1x16xf32> to vector<16xf32>
        %mul3A_161 = vector.broadcast %squeeze3A_156 : f32 to vector<16xf32>
        %mul3A_162 = arith.mulf %get3A_160, %mul3A_161 : vector<16xf32>
        %swap3A_163 = arith.index_cast %add3A_154 : i32 to index
        %swap3A_164 = arith.constant 0 : index
        %swap3A_165 = tpu.vector_load %arg14[%swap3A_163, %swap3A_164] {strides = array<i32>} : memref<128x32xf32, #tpu.memory_space<vmem>>, vector<1x16xf32>,
        %swap3A_166 = vector.shape_cast %swap3A_165 : vector<1x16xf32> to vector<16xf32>
        %swap3A_167 = vector.shape_cast %mul3A_162 : vector<16xf32> to vector<1x16xf32>
        tpu.vector_store %arg14[%swap3A_163, %swap3A_164], %swap3A_167 {strides = array<i32>} : memref<128x32xf32, #tpu.memory_space<vmem>>, vector<1x16xf32>,
        %get3A_168 = arith.index_cast %add3A_154 : i32 to index
        %get3A_169 = arith.constant 16 : index
        %get3A_170 = tpu.vector_load %arg12[%get3A_168, %get3A_169] {strides = array<i32>} : memref<128x32xf32, #tpu.memory_space<vmem>>, vector<1x16xf32>,
        %get3A_171 = vector.shape_cast %get3A_170 : vector<1x16xf32> to vector<16xf32>
        %mul3A_172 = vector.broadcast %squeeze3A_156 : f32 to vector<16xf32>
        %mul3A_173 = arith.mulf %get3A_171, %mul3A_172 : vector<16xf32>
        %swap3A_174 = arith.index_cast %add3A_154 : i32 to index
        %swap3A_175 = arith.constant 16 : index
        %swap3A_176 = tpu.vector_load %arg14[%swap3A_174, %swap3A_175] {strides = array<i32>} : memref<128x32xf32, #tpu.memory_space<vmem>>, vector<1x16xf32>,
        %swap3A_177 = vector.shape_cast %swap3A_176 : vector<1x16xf32> to vector<16xf32>
        %swap3A_178 = vector.shape_cast %mul3A_173 : vector<16xf32> to vector<1x16xf32>
        tpu.vector_store %arg14[%swap3A_174, %swap3A_175], %swap3A_178 {strides = array<i32>} : memref<128x32xf32, #tpu.memory_space<vmem>>, vector<1x16xf32>,
        %mul3A_179 = arith.constant 16 : i32
        %mul3A_180 = arith.muli %scan3A_91, %mul3A_179 : i32
        %add3A_181 = arith.constant 3 : i32
        %add3A_182 = arith.addi %mul3A_180, %add3A_181 : i32
        %slice3A_183 = vector.extract_strided_slice %get3A_97 {offsets = [3], sizes = [1], strides = [1]} : vector<16xf32> to vector<1xf32>
        %squeeze3A_184 = vector.extract %slice3A_183[0] : f32 from vector<1xf32>
        %get3A_185 = arith.index_cast %add3A_182 : i32 to index
        %get3A_186 = arith.constant 0 : index
        %get3A_187 = tpu.vector_load %arg12[%get3A_185, %get3A_186] {strides = array<i32>} : memref<128x32xf32, #tpu.memory_space<vmem>>, vector<1x16xf32>,
        %get3A_188 = vector.shape_cast %get3A_187 : vector<1x16xf32> to vector<16xf32>
        %mul3A_189 = vector.broadcast %squeeze3A_184 : f32 to vector<16xf32>
        %mul3A_190 = arith.mulf %get3A_188, %mul3A_189 : vector<16xf32>
        %swap3A_191 = arith.index_cast %add3A_182 : i32 to index
        %swap3A_192 = arith.constant 0 : index
        %swap3A_193 = tpu.vector_load %arg14[%swap3A_191, %swap3A_192] {strides = array<i32>} : memref<128x32xf32, #tpu.memory_space<vmem>>, vector<1x16xf32>,
        %swap3A_194 = vector.shape_cast %swap3A_193 : vector<1x16xf32> to vector<16xf32>
        %swap3A_195 = vector.shape_cast %mul3A_190 : vector<16xf32> to vector<1x16xf32>
        tpu.vector_store %arg14[%swap3A_191, %swap3A_192], %swap3A_195 {strides = array<i32>} : memref<128x32xf32, #tpu.memory_space<vmem>>, vector<1x16xf32>,
        %get3A_196 = arith.index_cast %add3A_182 : i32 to index
        %get3A_197 = arith.constant 16 : index
        %get3A_198 = tpu.vector_load %arg12[%get3A_196, %get3A_197] {strides = array<i32>} : memref<128x32xf32, #tpu.memory_space<vmem>>, vector<1x16xf32>,
        %get3A_199 = vector.shape_cast %get3A_198 : vector<1x16xf32> to vector<16xf32>
        %mul3A_200 = vector.broadcast %squeeze3A_184 : f32 to vector<16xf32>
        %mul3A_201 = arith.mulf %get3A_199, %mul3A_200 : vector<16xf32>
        %swap3A_202 = arith.index_cast %add3A_182 : i32 to index
        %swap3A_203 = arith.constant 16 : index
        %swap3A_204 = tpu.vector_load %arg14[%swap3A_202, %swap3A_203] {strides = array<i32>} : memref<128x32xf32, #tpu.memory_space<vmem>>, vector<1x16xf32>,
        %swap3A_205 = vector.shape_cast %swap3A_204 : vector<1x16xf32> to vector<16xf32>
        %swap3A_206 = vector.shape_cast %mul3A_201 : vector<16xf32> to vector<1x16xf32>
        tpu.vector_store %arg14[%swap3A_202, %swap3A_203], %swap3A_206 {strides = array<i32>} : memref<128x32xf32, #tpu.memory_space<vmem>>, vector<1x16xf32>,
        %mul3A_207 = arith.constant 16 : i32
        %mul3A_208 = arith.muli %scan3A_91, %mul3A_207 : i32
        %add3A_209 = arith.constant 4 : i32
        %add3A_210 = arith.addi %mul3A_208, %add3A_209 : i32
        %slice3A_211 = vector.extract_strided_slice %get3A_97 {offsets = [4], sizes = [1], strides = [1]} : vector<16xf32> to vector<1xf32>
        %squeeze3A_212 = vector.extract %slice3A_211[0] : f32 from vector<1xf32>
        %get3A_213 = arith.index_cast %add3A_210 : i32 to index
        %get3A_214 = arith.constant 0 : index
        %get3A_215 = tpu.vector_load %arg12[%get3A_213, %get3A_214] {strides = array<i32>} : memref<128x32xf32, #tpu.memory_space<vmem>>, vector<1x16xf32>,
        %get3A_216 = vector.shape_cast %get3A_215 : vector<1x16xf32> to vector<16xf32>
        %mul3A_217 = vector.broadcast %squeeze3A_212 : f32 to vector<16xf32>
        %mul3A_218 = arith.mulf %get3A_216, %mul3A_217 : vector<16xf32>
        %swap3A_219 = arith.index_cast %add3A_210 : i32 to index
        %swap3A_220 = arith.constant 0 : index
        %swap3A_221 = tpu.vector_load %arg14[%swap3A_219, %swap3A_220] {strides = array<i32>} : memref<128x32xf32, #tpu.memory_space<vmem>>, vector<1x16xf32>,
        %swap3A_222 = vector.shape_cast %swap3A_221 : vector<1x16xf32> to vector<16xf32>
        %swap3A_223 = vector.shape_cast %mul3A_218 : vector<16xf32> to vector<1x16xf32>
        tpu.vector_store %arg14[%swap3A_219, %swap3A_220], %swap3A_223 {strides = array<i32>} : memref<128x32xf32, #tpu.memory_space<vmem>>, vector<1x16xf32>,
        %get3A_224 = arith.index_cast %add3A_210 : i32 to index
        %get3A_225 = arith.constant 16 : index
        %get3A_226 = tpu.vector_load %arg12[%get3A_224, %get3A_225] {strides = array<i32>} : memref<128x32xf32, #tpu.memory_space<vmem>>, vector<1x16xf32>,
        %get3A_227 = vector.shape_cast %get3A_226 : vector<1x16xf32> to vector<16xf32>
        %mul3A_228 = vector.broadcast %squeeze3A_212 : f32 to vector<16xf32>
        %mul3A_229 = arith.mulf %get3A_227, %mul3A_228 : vector<16xf32>
        %swap3A_230 = arith.index_cast %add3A_210 : i32 to index
        %swap3A_231 = arith.constant 16 : index
        %swap3A_232 = tpu.vector_load %arg14[%swap3A_230, %swap3A_231] {strides = array<i32>} : memref<128x32xf32, #tpu.memory_space<vmem>>, vector<1x16xf32>,
        %swap3A_233 = vector.shape_cast %swap3A_232 : vector<1x16xf32> to vector<16xf32>
        %swap3A_234 = vector.shape_cast %mul3A_229 : vector<16xf32> to vector<1x16xf32>
        tpu.vector_store %arg14[%swap3A_230, %swap3A_231], %swap3A_234 {strides = array<i32>} : memref<128x32xf32, #tpu.memory_space<vmem>>, vector<1x16xf32>,
        %mul3A_235 = arith.constant 16 : i32
        %mul3A_236 = arith.muli %scan3A_91, %mul3A_235 : i32
        %add3A_237 = arith.constant 5 : i32
        %add3A_238 = arith.addi %mul3A_236, %add3A_237 : i32
        %slice3A_239 = vector.extract_strided_slice %get3A_97 {offsets = [5], sizes = [1], strides = [1]} : vector<16xf32> to vector<1xf32>
        %squeeze3A_240 = vector.extract %slice3A_239[0] : f32 from vector<1xf32>
        %get3A_241 = arith.index_cast %add3A_238 : i32 to index
        %get3A_242 = arith.constant 0 : index
        %get3A_243 = tpu.vector_load %arg12[%get3A_241, %get3A_242] {strides = array<i32>} : memref<128x32xf32, #tpu.memory_space<vmem>>, vector<1x16xf32>,
        %get3A_244 = vector.shape_cast %get3A_243 : vector<1x16xf32> to vector<16xf32>
        %mul3A_245 = vector.broadcast %squeeze3A_240 : f32 to vector<16xf32>
        %mul3A_246 = arith.mulf %get3A_244, %mul3A_245 : vector<16xf32>
        %swap3A_247 = arith.index_cast %add3A_238 : i32 to index
        %swap3A_248 = arith.constant 0 : index
        %swap3A_249 = tpu.vector_load %arg14[%swap3A_247, %swap3A_248] {strides = array<i32>} : memref<128x32xf32, #tpu.memory_space<vmem>>, vector<1x16xf32>,
        %swap3A_250 = vector.shape_cast %swap3A_249 : vector<1x16xf32> to vector<16xf32>
        %swap3A_251 = vector.shape_cast %mul3A_246 : vector<16xf32> to vector<1x16xf32>
        tpu.vector_store %arg14[%swap3A_247, %swap3A_248], %swap3A_251 {strides = array<i32>} : memref<128x32xf32, #tpu.memory_space<vmem>>, vector<1x16xf32>,
        %get3A_252 = arith.index_cast %add3A_238 : i32 to index
        %get3A_253 = arith.constant 16 : index
        %get3A_254 = tpu.vector_load %arg12[%get3A_252, %get3A_253] {strides = array<i32>} : memref<128x32xf32, #tpu.memory_space<vmem>>, vector<1x16xf32>,
        %get3A_255 = vector.shape_cast %get3A_254 : vector<1x16xf32> to vector<16xf32>
        %mul3A_256 = vector.broadcast %squeeze3A_240 : f32 to vector<16xf32>
        %mul3A_257 = arith.mulf %get3A_255, %mul3A_256 : vector<16xf32>
        %swap3A_258 = arith.index_cast %add3A_238 : i32 to index
        %swap3A_259 = arith.constant 16 : index
        %swap3A_260 = tpu.vector_load %arg14[%swap3A_258, %swap3A_259] {strides = array<i32>} : memref<128x32xf32, #tpu.memory_space<vmem>>, vector<1x16xf32>,
        %swap3A_261 = vector.shape_cast %swap3A_260 : vector<1x16xf32> to vector<16xf32>
        %swap3A_262 = vector.shape_cast %mul3A_257 : vector<16xf32> to vector<1x16xf32>
        tpu.vector_store %arg14[%swap3A_258, %swap3A_259], %swap3A_262 {strides = array<i32>} : memref<128x32xf32, #tpu.memory_space<vmem>>, vector<1x16xf32>,
        %mul3A_263 = arith.constant 16 : i32
        %mul3A_264 = arith.muli %scan3A_91, %mul3A_263 : i32
        %add3A_265 = arith.constant 6 : i32
        %add3A_266 = arith.addi %mul3A_264, %add3A_265 : i32
        %slice3A_267 = vector.extract_strided_slice %get3A_97 {offsets = [6], sizes = [1], strides = [1]} : vector<16xf32> to vector<1xf32>
        %squeeze3A_268 = vector.extract %slice3A_267[0] : f32 from vector<1xf32>
        %get3A_269 = arith.index_cast %add3A_266 : i32 to index
        %get3A_270 = arith.constant 0 : index
        %get3A_271 = tpu.vector_load %arg12[%get3A_269, %get3A_270] {strides = array<i32>} : memref<128x32xf32, #tpu.memory_space<vmem>>, vector<1x16xf32>,
        %get3A_272 = vector.shape_cast %get3A_271 : vector<1x16xf32> to vector<16xf32>
        %mul3A_273 = vector.broadcast %squeeze3A_268 : f32 to vector<16xf32>
        %mul3A_274 = arith.mulf %get3A_272, %mul3A_273 : vector<16xf32>
        %swap3A_275 = arith.index_cast %add3A_266 : i32 to index
        %swap3A_276 = arith.constant 0 : index
        %swap3A_277 = tpu.vector_load %arg14[%swap3A_275, %swap3A_276] {strides = array<i32>} : memref<128x32xf32, #tpu.memory_space<vmem>>, vector<1x16xf32>,
        %swap3A_278 = vector.shape_cast %swap3A_277 : vector<1x16xf32> to vector<16xf32>
        %swap3A_279 = vector.shape_cast %mul3A_274 : vector<16xf32> to vector<1x16xf32>
        tpu.vector_store %arg14[%swap3A_275, %swap3A_276], %swap3A_279 {strides = array<i32>} : memref<128x32xf32, #tpu.memory_space<vmem>>, vector<1x16xf32>,
        %get3A_280 = arith.index_cast %add3A_266 : i32 to index
        %get3A_281 = arith.constant 16 : index
        %get3A_282 = tpu.vector_load %arg12[%get3A_280, %get3A_281] {strides = array<i32>} : memref<128x32xf32, #tpu.memory_space<vmem>>, vector<1x16xf32>,
        %get3A_283 = vector.shape_cast %get3A_282 : vector<1x16xf32> to vector<16xf32>
        %mul3A_284 = vector.broadcast %squeeze3A_268 : f32 to vector<16xf32>
        %mul3A_285 = arith.mulf %get3A_283, %mul3A_284 : vector<16xf32>
        %swap3A_286 = arith.index_cast %add3A_266 : i32 to index
        %swap3A_287 = arith.constant 16 : index
        %swap3A_288 = tpu.vector_load %arg14[%swap3A_286, %swap3A_287] {strides = array<i32>} : memref<128x32xf32, #tpu.memory_space<vmem>>, vector<1x16xf32>,
        %swap3A_289 = vector.shape_cast %swap3A_288 : vector<1x16xf32> to vector<16xf32>
        %swap3A_290 = vector.shape_cast %mul3A_285 : vector<16xf32> to vector<1x16xf32>
        tpu.vector_store %arg14[%swap3A_286, %swap3A_287], %swap3A_290 {strides = array<i32>} : memref<128x32xf32, #tpu.memory_space<vmem>>, vector<1x16xf32>,
        %mul3A_291 = arith.constant 16 : i32
        %mul3A_292 = arith.muli %scan3A_91, %mul3A_291 : i32
        %add3A_293 = arith.constant 7 : i32
        %add3A_294 = arith.addi %mul3A_292, %add3A_293 : i32
        %slice3A_295 = vector.extract_strided_slice %get3A_97 {offsets = [7], sizes = [1], strides = [1]} : vector<16xf32> to vector<1xf32>
        %squeeze3A_296 = vector.extract %slice3A_295[0] : f32 from vector<1xf32>
        %get3A_297 = arith.index_cast %add3A_294 : i32 to index
        %get3A_298 = arith.constant 0 : index
        %get3A_299 = tpu.vector_load %arg12[%get3A_297, %get3A_298] {strides = array<i32>} : memref<128x32xf32, #tpu.memory_space<vmem>>, vector<1x16xf32>,
        %get3A_300 = vector.shape_cast %get3A_299 : vector<1x16xf32> to vector<16xf32>
        %mul3A_301 = vector.broadcast %squeeze3A_296 : f32 to vector<16xf32>
        %mul3A_302 = arith.mulf %get3A_300, %mul3A_301 : vector<16xf32>
        %swap3A_303 = arith.index_cast %add3A_294 : i32 to index
        %swap3A_304 = arith.constant 0 : index
        %swap3A_305 = tpu.vector_load %arg14[%swap3A_303, %swap3A_304] {strides = array<i32>} : memref<128x32xf32, #tpu.memory_space<vmem>>, vector<1x16xf32>,
        %swap3A_306 = vector.shape_cast %swap3A_305 : vector<1x16xf32> to vector<16xf32>
        %swap3A_307 = vector.shape_cast %mul3A_302 : vector<16xf32> to vector<1x16xf32>
        tpu.vector_store %arg14[%swap3A_303, %swap3A_304], %swap3A_307 {strides = array<i32>} : memref<128x32xf32, #tpu.memory_space<vmem>>, vector<1x16xf32>,
        %get3A_308 = arith.index_cast %add3A_294 : i32 to index
        %get3A_309 = arith.constant 16 : index
        %get3A_310 = tpu.vector_load %arg12[%get3A_308, %get3A_309] {strides = array<i32>} : memref<128x32xf32, #tpu.memory_space<vmem>>, vector<1x16xf32>,
        %get3A_311 = vector.shape_cast %get3A_310 : vector<1x16xf32> to vector<16xf32>
        %mul3A_312 = vector.broadcast %squeeze3A_296 : f32 to vector<16xf32>
        %mul3A_313 = arith.mulf %get3A_311, %mul3A_312 : vector<16xf32>
        %swap3A_314 = arith.index_cast %add3A_294 : i32 to index
        %swap3A_315 = arith.constant 16 : index
        %swap3A_316 = tpu.vector_load %arg14[%swap3A_314, %swap3A_315] {strides = array<i32>} : memref<128x32xf32, #tpu.memory_space<vmem>>, vector<1x16xf32>,
        %swap3A_317 = vector.shape_cast %swap3A_316 : vector<1x16xf32> to vector<16xf32>
        %swap3A_318 = vector.shape_cast %mul3A_313 : vector<16xf32> to vector<1x16xf32>
        tpu.vector_store %arg14[%swap3A_314, %swap3A_315], %swap3A_318 {strides = array<i32>} : memref<128x32xf32, #tpu.memory_space<vmem>>, vector<1x16xf32>,
        %mul3A_319 = arith.constant 16 : i32
        %mul3A_320 = arith.muli %scan3A_91, %mul3A_319 : i32
        %add3A_321 = arith.constant 8 : i32
        %add3A_322 = arith.addi %mul3A_320, %add3A_321 : i32
        %slice3A_323 = vector.extract_strided_slice %get3A_97 {offsets = [8], sizes = [1], strides = [1]} : vector<16xf32> to vector<1xf32>
        %squeeze3A_324 = vector.extract %slice3A_323[0] : f32 from vector<1xf32>
        %get3A_325 = arith.index_cast %add3A_322 : i32 to index
        %get3A_326 = arith.constant 0 : index
        %get3A_327 = tpu.vector_load %arg12[%get3A_325, %get3A_326] {strides = array<i32>} : memref<128x32xf32, #tpu.memory_space<vmem>>, vector<1x16xf32>,
        %get3A_328 = vector.shape_cast %get3A_327 : vector<1x16xf32> to vector<16xf32>
        %mul3A_329 = vector.broadcast %squeeze3A_324 : f32 to vector<16xf32>
        %mul3A_330 = arith.mulf %get3A_328, %mul3A_329 : vector<16xf32>
        %swap3A_331 = arith.index_cast %add3A_322 : i32 to index
        %swap3A_332 = arith.constant 0 : index
        %swap3A_333 = tpu.vector_load %arg14[%swap3A_331, %swap3A_332] {strides = array<i32>} : memref<128x32xf32, #tpu.memory_space<vmem>>, vector<1x16xf32>,
        %swap3A_334 = vector.shape_cast %swap3A_333 : vector<1x16xf32> to vector<16xf32>
        %swap3A_335 = vector.shape_cast %mul3A_330 : vector<16xf32> to vector<1x16xf32>
        tpu.vector_store %arg14[%swap3A_331, %swap3A_332], %swap3A_335 {strides = array<i32>} : memref<128x32xf32, #tpu.memory_space<vmem>>, vector<1x16xf32>,
        %get3A_336 = arith.index_cast %add3A_322 : i32 to index
        %get3A_337 = arith.constant 16 : index
        %get3A_338 = tpu.vector_load %arg12[%get3A_336, %get3A_337] {strides = array<i32>} : memref<128x32xf32, #tpu.memory_space<vmem>>, vector<1x16xf32>,
        %get3A_339 = vector.shape_cast %get3A_338 : vector<1x16xf32> to vector<16xf32>
        %mul3A_340 = vector.broadcast %squeeze3A_324 : f32 to vector<16xf32>
        %mul3A_341 = arith.mulf %get3A_339, %mul3A_340 : vector<16xf32>
        %swap3A_342 = arith.index_cast %add3A_322 : i32 to index
        %swap3A_343 = arith.constant 16 : index
        %swap3A_344 = tpu.vector_load %arg14[%swap3A_342, %swap3A_343] {strides = array<i32>} : memref<128x32xf32, #tpu.memory_space<vmem>>, vector<1x16xf32>,
        %swap3A_345 = vector.shape_cast %swap3A_344 : vector<1x16xf32> to vector<16xf32>
        %swap3A_346 = vector.shape_cast %mul3A_341 : vector<16xf32> to vector<1x16xf32>
        tpu.vector_store %arg14[%swap3A_342, %swap3A_343], %swap3A_346 {strides = array<i32>} : memref<128x32xf32, #tpu.memory_space<vmem>>, vector<1x16xf32>,
        %mul3A_347 = arith.constant 16 : i32
        %mul3A_348 = arith.muli %scan3A_91, %mul3A_347 : i32
        %add3A_349 = arith.constant 9 : i32
        %add3A_350 = arith.addi %mul3A_348, %add3A_349 : i32
        %slice3A_351 = vector.extract_strided_slice %get3A_97 {offsets = [9], sizes = [1], strides = [1]} : vector<16xf32> to vector<1xf32>
        %squeeze3A_352 = vector.extract %slice3A_351[0] : f32 from vector<1xf32>
        %get3A_353 = arith.index_cast %add3A_350 : i32 to index
        %get3A_354 = arith.constant 0 : index
        %get3A_355 = tpu.vector_load %arg12[%get3A_353, %get3A_354] {strides = array<i32>} : memref<128x32xf32, #tpu.memory_space<vmem>>, vector<1x16xf32>,
        %get3A_356 = vector.shape_cast %get3A_355 : vector<1x16xf32> to vector<16xf32>
        %mul3A_357 = vector.broadcast %squeeze3A_352 : f32 to vector<16xf32>
        %mul3A_358 = arith.mulf %get3A_356, %mul3A_357 : vector<16xf32>
        %swap3A_359 = arith.index_cast %add3A_350 : i32 to index
        %swap3A_360 = arith.constant 0 : index
        %swap3A_361 = tpu.vector_load %arg14[%swap3A_359, %swap3A_360] {strides = array<i32>} : memref<128x32xf32, #tpu.memory_space<vmem>>, vector<1x16xf32>,
        %swap3A_362 = vector.shape_cast %swap3A_361 : vector<1x16xf32> to vector<16xf32>
        %swap3A_363 = vector.shape_cast %mul3A_358 : vector<16xf32> to vector<1x16xf32>
        tpu.vector_store %arg14[%swap3A_359, %swap3A_360], %swap3A_363 {strides = array<i32>} : memref<128x32xf32, #tpu.memory_space<vmem>>, vector<1x16xf32>,
        %get3A_364 = arith.index_cast %add3A_350 : i32 to index
        %get3A_365 = arith.constant 16 : index
        %get3A_366 = tpu.vector_load %arg12[%get3A_364, %get3A_365] {strides = array<i32>} : memref<128x32xf32, #tpu.memory_space<vmem>>, vector<1x16xf32>,
        %get3A_367 = vector.shape_cast %get3A_366 : vector<1x16xf32> to vector<16xf32>
        %mul3A_368 = vector.broadcast %squeeze3A_352 : f32 to vector<16xf32>
        %mul3A_369 = arith.mulf %get3A_367, %mul3A_368 : vector<16xf32>
        %swap3A_370 = arith.index_cast %add3A_350 : i32 to index
        %swap3A_371 = arith.constant 16 : index
        %swap3A_372 = tpu.vector_load %arg14[%swap3A_370, %swap3A_371] {strides = array<i32>} : memref<128x32xf32, #tpu.memory_space<vmem>>, vector<1x16xf32>,
        %swap3A_373 = vector.shape_cast %swap3A_372 : vector<1x16xf32> to vector<16xf32>
        %swap3A_374 = vector.shape_cast %mul3A_369 : vector<16xf32> to vector<1x16xf32>
        tpu.vector_store %arg14[%swap3A_370, %swap3A_371], %swap3A_374 {strides = array<i32>} : memref<128x32xf32, #tpu.memory_space<vmem>>, vector<1x16xf32>,
        %mul3A_375 = arith.constant 16 : i32
        %mul3A_376 = arith.muli %scan3A_91, %mul3A_375 : i32
        %add3A_377 = arith.constant 10 : i32
        %add3A_378 = arith.addi %mul3A_376, %add3A_377 : i32
        %slice3A_379 = vector.extract_strided_slice %get3A_97 {offsets = [10], sizes = [1], strides = [1]} : vector<16xf32> to vector<1xf32>
        %squeeze3A_380 = vector.extract %slice3A_379[0] : f32 from vector<1xf32>
        %get3A_381 = arith.index_cast %add3A_378 : i32 to index
        %get3A_382 = arith.constant 0 : index
        %get3A_383 = tpu.vector_load %arg12[%get3A_381, %get3A_382] {strides = array<i32>} : memref<128x32xf32, #tpu.memory_space<vmem>>, vector<1x16xf32>,
        %get3A_384 = vector.shape_cast %get3A_383 : vector<1x16xf32> to vector<16xf32>
        %mul3A_385 = vector.broadcast %squeeze3A_380 : f32 to vector<16xf32>
        %mul3A_386 = arith.mulf %get3A_384, %mul3A_385 : vector<16xf32>
        %swap3A_387 = arith.index_cast %add3A_378 : i32 to index
        %swap3A_388 = arith.constant 0 : index
        %swap3A_389 = tpu.vector_load %arg14[%swap3A_387, %swap3A_388] {strides = array<i32>} : memref<128x32xf32, #tpu.memory_space<vmem>>, vector<1x16xf32>,
        %swap3A_390 = vector.shape_cast %swap3A_389 : vector<1x16xf32> to vector<16xf32>
        %swap3A_391 = vector.shape_cast %mul3A_386 : vector<16xf32> to vector<1x16xf32>
        tpu.vector_store %arg14[%swap3A_387, %swap3A_388], %swap3A_391 {strides = array<i32>} : memref<128x32xf32, #tpu.memory_space<vmem>>, vector<1x16xf32>,
        %get3A_392 = arith.index_cast %add3A_378 : i32 to index
        %get3A_393 = arith.constant 16 : index
        %get3A_394 = tpu.vector_load %arg12[%get3A_392, %get3A_393] {strides = array<i32>} : memref<128x32xf32, #tpu.memory_space<vmem>>, vector<1x16xf32>,
        %get3A_395 = vector.shape_cast %get3A_394 : vector<1x16xf32> to vector<16xf32>
        %mul3A_396 = vector.broadcast %squeeze3A_380 : f32 to vector<16xf32>
        %mul3A_397 = arith.mulf %get3A_395, %mul3A_396 : vector<16xf32>
        %swap3A_398 = arith.index_cast %add3A_378 : i32 to index
        %swap3A_399 = arith.constant 16 : index
        %swap3A_400 = tpu.vector_load %arg14[%swap3A_398, %swap3A_399] {strides = array<i32>} : memref<128x32xf32, #tpu.memory_space<vmem>>, vector<1x16xf32>,
        %swap3A_401 = vector.shape_cast %swap3A_400 : vector<1x16xf32> to vector<16xf32>
        %swap3A_402 = vector.shape_cast %mul3A_397 : vector<16xf32> to vector<1x16xf32>
        tpu.vector_store %arg14[%swap3A_398, %swap3A_399], %swap3A_402 {strides = array<i32>} : memref<128x32xf32, #tpu.memory_space<vmem>>, vector<1x16xf32>,
        %mul3A_403 = arith.constant 16 : i32
        %mul3A_404 = arith.muli %scan3A_91, %mul3A_403 : i32
        %add3A_405 = arith.constant 11 : i32
        %add3A_406 = arith.addi %mul3A_404, %add3A_405 : i32
        %slice3A_407 = vector.extract_strided_slice %get3A_97 {offsets = [11], sizes = [1], strides = [1]} : vector<16xf32> to vector<1xf32>
        %squeeze3A_408 = vector.extract %slice3A_407[0] : f32 from vector<1xf32>
        %get3A_409 = arith.index_cast %add3A_406 : i32 to index
        %get3A_410 = arith.constant 0 : index
        %get3A_411 = tpu.vector_load %arg12[%get3A_409, %get3A_410] {strides = array<i32>} : memref<128x32xf32, #tpu.memory_space<vmem>>, vector<1x16xf32>,
        %get3A_412 = vector.shape_cast %get3A_411 : vector<1x16xf32> to vector<16xf32>
        %mul3A_413 = vector.broadcast %squeeze3A_408 : f32 to vector<16xf32>
        %mul3A_414 = arith.mulf %get3A_412, %mul3A_413 : vector<16xf32>
        %swap3A_415 = arith.index_cast %add3A_406 : i32 to index
        %swap3A_416 = arith.constant 0 : index
        %swap3A_417 = tpu.vector_load %arg14[%swap3A_415, %swap3A_416] {strides = array<i32>} : memref<128x32xf32, #tpu.memory_space<vmem>>, vector<1x16xf32>,
        %swap3A_418 = vector.shape_cast %swap3A_417 : vector<1x16xf32> to vector<16xf32>
        %swap3A_419 = vector.shape_cast %mul3A_414 : vector<16xf32> to vector<1x16xf32>
        tpu.vector_store %arg14[%swap3A_415, %swap3A_416], %swap3A_419 {strides = array<i32>} : memref<128x32xf32, #tpu.memory_space<vmem>>, vector<1x16xf32>,
        %get3A_420 = arith.index_cast %add3A_406 : i32 to index
        %get3A_421 = arith.constant 16 : index
        %get3A_422 = tpu.vector_load %arg12[%get3A_420, %get3A_421] {strides = array<i32>} : memref<128x32xf32, #tpu.memory_space<vmem>>, vector<1x16xf32>,
        %get3A_423 = vector.shape_cast %get3A_422 : vector<1x16xf32> to vector<16xf32>
        %mul3A_424 = vector.broadcast %squeeze3A_408 : f32 to vector<16xf32>
        %mul3A_425 = arith.mulf %get3A_423, %mul3A_424 : vector<16xf32>
        %swap3A_426 = arith.index_cast %add3A_406 : i32 to index
        %swap3A_427 = arith.constant 16 : index
        %swap3A_428 = tpu.vector_load %arg14[%swap3A_426, %swap3A_427] {strides = array<i32>} : memref<128x32xf32, #tpu.memory_space<vmem>>, vector<1x16xf32>,
        %swap3A_429 = vector.shape_cast %swap3A_428 : vector<1x16xf32> to vector<16xf32>
        %swap3A_430 = vector.shape_cast %mul3A_425 : vector<16xf32> to vector<1x16xf32>
        tpu.vector_store %arg14[%swap3A_426, %swap3A_427], %swap3A_430 {strides = array<i32>} : memref<128x32xf32, #tpu.memory_space<vmem>>, vector<1x16xf32>,
        %mul3A_431 = arith.constant 16 : i32
        %mul3A_432 = arith.muli %scan3A_91, %mul3A_431 : i32
        %add3A_433 = arith.constant 12 : i32
        %add3A_434 = arith.addi %mul3A_432, %add3A_433 : i32
        %slice3A_435 = vector.extract_strided_slice %get3A_97 {offsets = [12], sizes = [1], strides = [1]} : vector<16xf32> to vector<1xf32>
        %squeeze3A_436 = vector.extract %slice3A_435[0] : f32 from vector<1xf32>
        %get3A_437 = arith.index_cast %add3A_434 : i32 to index
        %get3A_438 = arith.constant 0 : index
        %get3A_439 = tpu.vector_load %arg12[%get3A_437, %get3A_438] {strides = array<i32>} : memref<128x32xf32, #tpu.memory_space<vmem>>, vector<1x16xf32>,
        %get3A_440 = vector.shape_cast %get3A_439 : vector<1x16xf32> to vector<16xf32>
        %mul3A_441 = vector.broadcast %squeeze3A_436 : f32 to vector<16xf32>
        %mul3A_442 = arith.mulf %get3A_440, %mul3A_441 : vector<16xf32>
        %swap3A_443 = arith.index_cast %add3A_434 : i32 to index
        %swap3A_444 = arith.constant 0 : index
        %swap3A_445 = tpu.vector_load %arg14[%swap3A_443, %swap3A_444] {strides = array<i32>} : memref<128x32xf32, #tpu.memory_space<vmem>>, vector<1x16xf32>,
        %swap3A_446 = vector.shape_cast %swap3A_445 : vector<1x16xf32> to vector<16xf32>
        %swap3A_447 = vector.shape_cast %mul3A_442 : vector<16xf32> to vector<1x16xf32>
        tpu.vector_store %arg14[%swap3A_443, %swap3A_444], %swap3A_447 {strides = array<i32>} : memref<128x32xf32, #tpu.memory_space<vmem>>, vector<1x16xf32>,
        %get3A_448 = arith.index_cast %add3A_434 : i32 to index
        %get3A_449 = arith.constant 16 : index
        %get3A_450 = tpu.vector_load %arg12[%get3A_448, %get3A_449] {strides = array<i32>} : memref<128x32xf32, #tpu.memory_space<vmem>>, vector<1x16xf32>,
        %get3A_451 = vector.shape_cast %get3A_450 : vector<1x16xf32> to vector<16xf32>
        %mul3A_452 = vector.broadcast %squeeze3A_436 : f32 to vector<16xf32>
        %mul3A_453 = arith.mulf %get3A_451, %mul3A_452 : vector<16xf32>
        %swap3A_454 = arith.index_cast %add3A_434 : i32 to index
        %swap3A_455 = arith.constant 16 : index
        %swap3A_456 = tpu.vector_load %arg14[%swap3A_454, %swap3A_455] {strides = array<i32>} : memref<128x32xf32, #tpu.memory_space<vmem>>, vector<1x16xf32>,
        %swap3A_457 = vector.shape_cast %swap3A_456 : vector<1x16xf32> to vector<16xf32>
        %swap3A_458 = vector.shape_cast %mul3A_453 : vector<16xf32> to vector<1x16xf32>
        tpu.vector_store %arg14[%swap3A_454, %swap3A_455], %swap3A_458 {strides = array<i32>} : memref<128x32xf32, #tpu.memory_space<vmem>>, vector<1x16xf32>,
        %mul3A_459 = arith.constant 16 : i32
        %mul3A_460 = arith.muli %scan3A_91, %mul3A_459 : i32
        %add3A_461 = arith.constant 13 : i32
        %add3A_462 = arith.addi %mul3A_460, %add3A_461 : i32
        %slice3A_463 = vector.extract_strided_slice %get3A_97 {offsets = [13], sizes = [1], strides = [1]} : vector<16xf32> to vector<1xf32>
        %squeeze3A_464 = vector.extract %slice3A_463[0] : f32 from vector<1xf32>
        %get3A_465 = arith.index_cast %add3A_462 : i32 to index
        %get3A_466 = arith.constant 0 : index
        %get3A_467 = tpu.vector_load %arg12[%get3A_465, %get3A_466] {strides = array<i32>} : memref<128x32xf32, #tpu.memory_space<vmem>>, vector<1x16xf32>,
        %get3A_468 = vector.shape_cast %get3A_467 : vector<1x16xf32> to vector<16xf32>
        %mul3A_469 = vector.broadcast %squeeze3A_464 : f32 to vector<16xf32>
        %mul3A_470 = arith.mulf %get3A_468, %mul3A_469 : vector<16xf32>
        %swap3A_471 = arith.index_cast %add3A_462 : i32 to index
        %swap3A_472 = arith.constant 0 : index
        %swap3A_473 = tpu.vector_load %arg14[%swap3A_471, %swap3A_472] {strides = array<i32>} : memref<128x32xf32, #tpu.memory_space<vmem>>, vector<1x16xf32>,
        %swap3A_474 = vector.shape_cast %swap3A_473 : vector<1x16xf32> to vector<16xf32>
        %swap3A_475 = vector.shape_cast %mul3A_470 : vector<16xf32> to vector<1x16xf32>
        tpu.vector_store %arg14[%swap3A_471, %swap3A_472], %swap3A_475 {strides = array<i32>} : memref<128x32xf32, #tpu.memory_space<vmem>>, vector<1x16xf32>,
        %get3A_476 = arith.index_cast %add3A_462 : i32 to index
        %get3A_477 = arith.constant 16 : index
        %get3A_478 = tpu.vector_load %arg12[%get3A_476, %get3A_477] {strides = array<i32>} : memref<128x32xf32, #tpu.memory_space<vmem>>, vector<1x16xf32>,
        %get3A_479 = vector.shape_cast %get3A_478 : vector<1x16xf32> to vector<16xf32>
        %mul3A_480 = vector.broadcast %squeeze3A_464 : f32 to vector<16xf32>
        %mul3A_481 = arith.mulf %get3A_479, %mul3A_480 : vector<16xf32>
        %swap3A_482 = arith.index_cast %add3A_462 : i32 to index
        %swap3A_483 = arith.constant 16 : index
        %swap3A_484 = tpu.vector_load %arg14[%swap3A_482, %swap3A_483] {strides = array<i32>} : memref<128x32xf32, #tpu.memory_space<vmem>>, vector<1x16xf32>,
        %swap3A_485 = vector.shape_cast %swap3A_484 : vector<1x16xf32> to vector<16xf32>
        %swap3A_486 = vector.shape_cast %mul3A_481 : vector<16xf32> to vector<1x16xf32>
        tpu.vector_store %arg14[%swap3A_482, %swap3A_483], %swap3A_486 {strides = array<i32>} : memref<128x32xf32, #tpu.memory_space<vmem>>, vector<1x16xf32>,
        %mul3A_487 = arith.constant 16 : i32
        %mul3A_488 = arith.muli %scan3A_91, %mul3A_487 : i32
        %add3A_489 = arith.constant 14 : i32
        %add3A_490 = arith.addi %mul3A_488, %add3A_489 : i32
        %slice3A_491 = vector.extract_strided_slice %get3A_97 {offsets = [14], sizes = [1], strides = [1]} : vector<16xf32> to vector<1xf32>
        %squeeze3A_492 = vector.extract %slice3A_491[0] : f32 from vector<1xf32>
        %get3A_493 = arith.index_cast %add3A_490 : i32 to index
        %get3A_494 = arith.constant 0 : index
        %get3A_495 = tpu.vector_load %arg12[%get3A_493, %get3A_494] {strides = array<i32>} : memref<128x32xf32, #tpu.memory_space<vmem>>, vector<1x16xf32>,
        %get3A_496 = vector.shape_cast %get3A_495 : vector<1x16xf32> to vector<16xf32>
        %mul3A_497 = vector.broadcast %squeeze3A_492 : f32 to vector<16xf32>
        %mul3A_498 = arith.mulf %get3A_496, %mul3A_497 : vector<16xf32>
        %swap3A_499 = arith.index_cast %add3A_490 : i32 to index
        %swap3A_500 = arith.constant 0 : index
        %swap3A_501 = tpu.vector_load %arg14[%swap3A_499, %swap3A_500] {strides = array<i32>} : memref<128x32xf32, #tpu.memory_space<vmem>>, vector<1x16xf32>,
        %swap3A_502 = vector.shape_cast %swap3A_501 : vector<1x16xf32> to vector<16xf32>
        %swap3A_503 = vector.shape_cast %mul3A_498 : vector<16xf32> to vector<1x16xf32>
        tpu.vector_store %arg14[%swap3A_499, %swap3A_500], %swap3A_503 {strides = array<i32>} : memref<128x32xf32, #tpu.memory_space<vmem>>, vector<1x16xf32>,
        %get3A_504 = arith.index_cast %add3A_490 : i32 to index
        %get3A_505 = arith.constant 16 : index
        %get3A_506 = tpu.vector_load %arg12[%get3A_504, %get3A_505] {strides = array<i32>} : memref<128x32xf32, #tpu.memory_space<vmem>>, vector<1x16xf32>,
        %get3A_507 = vector.shape_cast %get3A_506 : vector<1x16xf32> to vector<16xf32>
        %mul3A_508 = vector.broadcast %squeeze3A_492 : f32 to vector<16xf32>
        %mul3A_509 = arith.mulf %get3A_507, %mul3A_508 : vector<16xf32>
        %swap3A_510 = arith.index_cast %add3A_490 : i32 to index
        %swap3A_511 = arith.constant 16 : index
        %swap3A_512 = tpu.vector_load %arg14[%swap3A_510, %swap3A_511] {strides = array<i32>} : memref<128x32xf32, #tpu.memory_space<vmem>>, vector<1x16xf32>,
        %swap3A_513 = vector.shape_cast %swap3A_512 : vector<1x16xf32> to vector<16xf32>
        %swap3A_514 = vector.shape_cast %mul3A_509 : vector<16xf32> to vector<1x16xf32>
        tpu.vector_store %arg14[%swap3A_510, %swap3A_511], %swap3A_514 {strides = array<i32>} : memref<128x32xf32, #tpu.memory_space<vmem>>, vector<1x16xf32>,
        %mul3A_515 = arith.constant 16 : i32
        %mul3A_516 = arith.muli %scan3A_91, %mul3A_515 : i32
        %add3A_517 = arith.constant 15 : i32
        %add3A_518 = arith.addi %mul3A_516, %add3A_517 : i32
        %slice3A_519 = vector.extract_strided_slice %get3A_97 {offsets = [15], sizes = [1], strides = [1]} : vector<16xf32> to vector<1xf32>
        %squeeze3A_520 = vector.extract %slice3A_519[0] : f32 from vector<1xf32>
        %get3A_521 = arith.index_cast %add3A_518 : i32 to index
        %get3A_522 = arith.constant 0 : index
        %get3A_523 = tpu.vector_load %arg12[%get3A_521, %get3A_522] {strides = array<i32>} : memref<128x32xf32, #tpu.memory_space<vmem>>, vector<1x16xf32>,
        %get3A_524 = vector.shape_cast %get3A_523 : vector<1x16xf32> to vector<16xf32>
        %mul3A_525 = vector.broadcast %squeeze3A_520 : f32 to vector<16xf32>
        %mul3A_526 = arith.mulf %get3A_524, %mul3A_525 : vector<16xf32>
        %swap3A_527 = arith.index_cast %add3A_518 : i32 to index
        %swap3A_528 = arith.constant 0 : index
        %swap3A_529 = tpu.vector_load %arg14[%swap3A_527, %swap3A_528] {strides = array<i32>} : memref<128x32xf32, #tpu.memory_space<vmem>>, vector<1x16xf32>,
        %swap3A_530 = vector.shape_cast %swap3A_529 : vector<1x16xf32> to vector<16xf32>
        %swap3A_531 = vector.shape_cast %mul3A_526 : vector<16xf32> to vector<1x16xf32>
        tpu.vector_store %arg14[%swap3A_527, %swap3A_528], %swap3A_531 {strides = array<i32>} : memref<128x32xf32, #tpu.memory_space<vmem>>, vector<1x16xf32>,
        %get3A_532 = arith.index_cast %add3A_518 : i32 to index
        %get3A_533 = arith.constant 16 : index
        %get3A_534 = tpu.vector_load %arg12[%get3A_532, %get3A_533] {strides = array<i32>} : memref<128x32xf32, #tpu.memory_space<vmem>>, vector<1x16xf32>,
        %get3A_535 = vector.shape_cast %get3A_534 : vector<1x16xf32> to vector<16xf32>
        %mul3A_536 = vector.broadcast %squeeze3A_520 : f32 to vector<16xf32>
        %mul3A_537 = arith.mulf %get3A_535, %mul3A_536 : vector<16xf32>
        %swap3A_538 = arith.index_cast %add3A_518 : i32 to index
        %swap3A_539 = arith.constant 16 : index
        %swap3A_540 = tpu.vector_load %arg14[%swap3A_538, %swap3A_539] {strides = array<i32>} : memref<128x32xf32, #tpu.memory_space<vmem>>, vector<1x16xf32>,
        %swap3A_541 = vector.shape_cast %swap3A_540 : vector<1x16xf32> to vector<16xf32>
        %swap3A_542 = vector.shape_cast %mul3A_537 : vector<16xf32> to vector<1x16xf32>
        tpu.vector_store %arg14[%swap3A_538, %swap3A_539], %swap3A_542 {strides = array<i32>} : memref<128x32xf32, #tpu.memory_space<vmem>>, vector<1x16xf32>,
        %scan3A_543 = arith.constant 0 : i32
        scf.yield %scan3A_543 : i32
      }
      %scan3A_82 = arith.constant 8 : i32
      %add3A_83 = arith.constant 2 : i32
      %add3A_84 = arith.addi %add3A_69, %add3A_83 : i32
      %lt3A_85 = arith.constant 26 : i32
      %lt3A_86 = arith.cmpi slt, %add3A_84, %lt3A_85 : i32
      %convert_element_type3A_87 = arith.extui %lt3A_86 : i1 to i32
      %cond3A_88 = arith.constant 0 : i32
      %cond3A_89 = arith.cmpi ne, %convert_element_type3A_87, %cond3A_88 : i32
      scf.if %cond3A_89 {
        %add3A_91 = arith.constant 2 : i32
        %add3A_92 = arith.addi %add3A_69, %add3A_91 : i32
        %dma_start3A_93 = arith.constant 0 : i32
        %dma_start3A_94 = tpu.memref_slice %arg8[%add3A_92, %dma_start3A_93] : memref<26x128xi32, #tpu.memory_space<vmem>> -> memref<1x128xi32, #tpu.memory_space<vmem>>
        %dma_start3A_95 = tpu.memref_squeeze %dma_start3A_94 : memref<1x128xi32, #tpu.memory_space<vmem>> -> memref<128xi32, #tpu.memory_space<vmem>>
        %dma_start3A_96 = arith.constant 0 : i32
        %dma_start3A_97 = arith.constant 0 : i32
        %dma_start3A_98 = tpu.memref_slice %arg5[%dma_start3A_96, %dma_start3A_97] : memref<1015808x32xf32, #tpu.memory_space<hbm>> -> memref<1015808x32xf32, #tpu.memory_space<hbm>>
        tpu.enqueue_indirect_dma source(%dma_start3A_98 : memref<1015808x32xf32, #tpu.memory_space<hbm>>) target(%arg12 : memref<128x32xf32, #tpu.memory_space<vmem>>) offsets(%dma_start3A_95 : memref<128xi32, #tpu.memory_space<vmem>>) semaphore(%arg17 : memref<!tpu.dma_semaphore, #tpu.memory_space<semaphore_mem>>)
      } else {
      }
      "tpu.region"() ({
        %run_scoped3A = tpu.sem_alloc : memref<!tpu.dma_semaphore, #tpu.memory_space<semaphore_mem>>
        %dma_start3A_91 = arith.constant 0 : i32
        %dma_start3A_92 = tpu.memref_slice %arg9[%add3A_69, %dma_start3A_91] : memref<26x128xi32, #tpu.memory_space<vmem>> -> memref<1x128xi32, #tpu.memory_space<vmem>>
        %dma_start3A_93 = tpu.memref_squeeze %dma_start3A_92 : memref<1x128xi32, #tpu.memory_space<vmem>> -> memref<128xi32, #tpu.memory_space<vmem>>
        %dma_start3A_94 = arith.constant 0 : i32
        %dma_start3A_95 = arith.constant 0 : i32
        %dma_start3A_96 = tpu.memref_slice %arg15[%dma_start3A_94, %dma_start3A_95] : memref<4096x32xf32, #tpu.memory_space<vmem_shared>> -> memref<4096x32xf32, #tpu.memory_space<vmem_shared>>
        tpu.enqueue_indirect_dma source(%arg14 : memref<128x32xf32, #tpu.memory_space<vmem>>) target(%dma_start3A_96 : memref<4096x32xf32, #tpu.memory_space<vmem_shared>>) offsets(%dma_start3A_93 : memref<128xi32, #tpu.memory_space<vmem>>) semaphore(%run_scoped3A : memref<!tpu.dma_semaphore, #tpu.memory_space<semaphore_mem>>) {add = true}
        %dma_wait3A_97 = arith.constant 0 : i32
        %dma_wait3A_98 = tpu.memref_slice %arg9[%add3A_69, %dma_wait3A_97] : memref<26x128xi32, #tpu.memory_space<vmem>> -> memref<1x128xi32, #tpu.memory_space<vmem>>
        %dma_wait3A_99 = tpu.memref_squeeze %dma_wait3A_98 : memref<1x128xi32, #tpu.memory_space<vmem>> -> memref<128xi32, #tpu.memory_space<vmem>>
        %dma_wait3A_100 = arith.constant 0 : i32
        %dma_wait3A_101 = arith.constant 0 : i32
        %dma_wait3A_102 = tpu.memref_slice %arg15[%dma_wait3A_100, %dma_wait3A_101] : memref<4096x32xf32, #tpu.memory_space<vmem_shared>> -> memref<4096x32xf32, #tpu.memory_space<vmem_shared>>
        tpu.wait_indirect_dma semaphore(%run_scoped3A : memref<!tpu.dma_semaphore, #tpu.memory_space<semaphore_mem>>) src(%arg14 : memref<128x32xf32, #tpu.memory_space<vmem>>) dst(%dma_wait3A_102 : memref<4096x32xf32, #tpu.memory_space<vmem_shared>>)
        tpu.yield
      }) : () -> ()
      %scan3A_90 = arith.constant 0 : i32
      scf.yield %scan3A_90 : i32
    }
    %scan3A_40 = arith.constant 13 : i32
    %barrier3A_41 = arith.constant 0 : index
    tpu.barrier barrier_id(%barrier3A_41)
    %mul3A_42 = arith.constant 256 : i32
    %mul3A_43 = arith.muli %arg1, %mul3A_42 : i32
    %mul3A_44 = arith.constant 256 : i32
    %mul3A_45 = arith.muli %arg1, %mul3A_44 : i32
    "tpu.region"() ({
      %run_scoped3A = tpu.sem_alloc : memref<!tpu.dma_semaphore, #tpu.memory_space<semaphore_mem>>
      %dma_start3A_46 = arith.constant 0 : i32
      %dma_start3A_47 = tpu.memref_slice %arg6[%arg0, %mul3A_45, %dma_start3A_46] : memref<2x4096x32xf32, #tpu.memory_space<hbm>> -> memref<1x256x32xf32, #tpu.memory_space<hbm>>
      %dma_start3A_48 = tpu.memref_squeeze %dma_start3A_47 : memref<1x256x32xf32, #tpu.memory_space<hbm>> -> memref<256x32xf32, #tpu.memory_space<hbm>>
      %dma_start3A_49 = arith.constant 0 : i32
      %dma_start3A_50 = tpu.memref_slice %arg15[%mul3A_43, %dma_start3A_49] : memref<4096x32xf32, #tpu.memory_space<vmem_shared>> -> memref<256x32xf32, #tpu.memory_space<vmem_shared>>
      tpu.enqueue_dma source(%dma_start3A_50 : memref<256x32xf32, #tpu.memory_space<vmem_shared>>) target(%dma_start3A_48 : memref<256x32xf32, #tpu.memory_space<hbm>>) target_semaphore(%run_scoped3A : memref<!tpu.dma_semaphore, #tpu.memory_space<semaphore_mem>>)
      %dma_wait3A = arith.constant 0 : i32
      %dma_wait3A_51 = tpu.memref_slice %arg6[%arg0, %mul3A_45, %dma_wait3A] : memref<2x4096x32xf32, #tpu.memory_space<hbm>> -> memref<1x256x32xf32, #tpu.memory_space<hbm>>
      %dma_wait3A_52 = tpu.memref_squeeze %dma_wait3A_51 : memref<1x256x32xf32, #tpu.memory_space<hbm>> -> memref<256x32xf32, #tpu.memory_space<hbm>>
      %dma_wait3A_53 = arith.constant 0 : i32
      %dma_wait3A_54 = tpu.memref_slice %arg15[%mul3A_43, %dma_wait3A_53] : memref<4096x32xf32, #tpu.memory_space<vmem_shared>> -> memref<256x32xf32, #tpu.memory_space<vmem_shared>>
      tpu.wait_dma2 semaphore(%run_scoped3A : memref<!tpu.dma_semaphore, #tpu.memory_space<semaphore_mem>>) src(%dma_wait3A_54 : memref<256x32xf32, #tpu.memory_space<vmem_shared>>) dst(%dma_wait3A_52 : memref<256x32xf32, #tpu.memory_space<hbm>>)
      tpu.yield
    }) : () -> ()
    return
  }
}

module attributes {stable_mosaic.version = 14 : i64} {
  func.func @_tp_body(%arg0: i32, %arg1: memref<32x32768xf32, #tpu.memory_space<vmem>>, %arg2: memref<8192x128xf32, #tpu.memory_space<vmem>>) attributes {dimension_semantics = [#tpu.dimension_semantics<arbitrary>], iteration_bounds = array<i64: 31>, scalar_prefetch = 0 : i64, scratch_operands = 0 : i64, tpu.core_type = #tpu.core_type<tc>, window_params = [{transform_indices = @transform_0, window_bounds = array<i64: 32, 32768>}, {transform_indices = @transform_1, window_bounds = array<i64: 8192, 128>}]} {
    %get3A = arith.constant 0 : index
    %get3A_0 = arith.constant 0 : index
    %get3A_1 = vector.load %arg1[%get3A, %get3A_0] : memref<32x32768xf32, #tpu.memory_space<vmem>>, vector<32x32768xf32>
    %slice3A = vector.extract_strided_slice %get3A_1 {offsets = [0, 0], sizes = [32, 8192], strides = [1, 1]} : vector<32x32768xf32> to vector<32x8192xf32>
    %slice3A_2 = vector.extract_strided_slice %get3A_1 {offsets = [0, 8192], sizes = [32, 8192], strides = [1, 1]} : vector<32x32768xf32> to vector<32x8192xf32>
    %slice3A_3 = vector.extract_strided_slice %get3A_1 {offsets = [0, 16384], sizes = [32, 8192], strides = [1, 1]} : vector<32x32768xf32> to vector<32x8192xf32>
    %slice3A_4 = vector.extract_strided_slice %get3A_1 {offsets = [0, 24576], sizes = [32, 8192], strides = [1, 1]} : vector<32x32768xf32> to vector<32x8192xf32>
    %concatenate3A = tpu.concatenate %slice3A, %slice3A_2, %slice3A_3, %slice3A_4 in 0 : vector<32x8192xf32>, vector<32x8192xf32>, vector<32x8192xf32>, vector<32x8192xf32> -> vector<128x8192xf32>
    %iota3A = tpu.iota {dimensions = array<i32: 0>} : vector<128x128xi32>
    %iota3A_5 = tpu.iota {dimensions = array<i32: 1>} : vector<128x128xi32>
    %add3A = arith.constant 0 : i32
    %add3A_6 = vector.broadcast %add3A : i32 to vector<128x128xi32>
    %add3A_7 = arith.addi %iota3A, %add3A_6 : vector<128x128xi32>
    %eq3A = arith.cmpi eq, %add3A_7, %iota3A_5 : vector<128x128xi32>
    %convert_element_type3A = arith.extui %eq3A : vector<128x128xi1> to vector<128x128xi32>
    %convert_element_type3A_8 = arith.sitofp %convert_element_type3A : vector<128x128xi32> to vector<128x128xf32>
    %transpose3A = tpu.transpose %concatenate3A, [1, 0] : vector<128x8192xf32> -> vector<8192x128xf32>
    %dot_general3A = arith.constant dense<0.000000e+00> : vector<8192x128xf32>
    %dot_general3A_9 = tpu.matmul %transpose3A, %convert_element_type3A_8, %dot_general3A {dimension_numbers = #tpu.dot_dimension_numbers<[1], [0], [0], [1], [0, 0, 1, 1], [], []>, transpose_lhs_hint = false} : vector<8192x128xf32>, vector<128x128xf32>, vector<8192x128xf32> -> vector<8192x128xf32>
    %swap3A = arith.constant 0 : index
    %swap3A_10 = arith.constant 0 : index
    %swap3A_11 = vector.load %arg2[%swap3A, %swap3A_10] : memref<8192x128xf32, #tpu.memory_space<vmem>>, vector<8192x128xf32>
    tpu.vector_store %arg2[%swap3A, %swap3A_10], %dot_general3A_9 {strides = array<i32>} : memref<8192x128xf32, #tpu.memory_space<vmem>>, vector<8192x128xf32>,
    return
  }
  func.func @transform_0(%arg0: i32) -> (i32, i32) {
    %c0_i32 = arith.constant 0 : i32
    %c0_i32_0 = arith.constant 0 : i32
    return %c0_i32, %arg0 : i32, i32
  }
  func.func @transform_1(%arg0: i32) -> (i32, i32) {
    %c0_i32 = arith.constant 0 : i32
    %c0_i32_0 = arith.constant 0 : i32
    return %arg0, %c0_i32 : i32, i32
  }
}

module attributes {stable_mosaic.version = 14 : i64} {
  func.func @_add_body(%arg0: memref<2x4096x32xf32, #tpu.memory_space<vmem>>, %arg1: memref<32x4096xf32, #tpu.memory_space<vmem>>) attributes {dimension_semantics = [], scalar_prefetch = 0 : i64, scratch_operands = 0 : i64, tpu.core_type = #tpu.core_type<tc>} {
    %get3A = arith.constant 0 : index
    %get3A_0 = arith.constant 0 : index
    %get3A_1 = arith.constant 0 : index
    %get3A_2 = vector.load %arg0[%get3A, %get3A_0, %get3A_1] : memref<2x4096x32xf32, #tpu.memory_space<vmem>>, vector<1x4096x32xf32>
    %get3A_3 = vector.shape_cast %get3A_2 : vector<1x4096x32xf32> to vector<4096x32xf32>
    %get3A_4 = arith.constant 1 : index
    %get3A_5 = arith.constant 0 : index
    %get3A_6 = arith.constant 0 : index
    %get3A_7 = vector.load %arg0[%get3A_4, %get3A_5, %get3A_6] : memref<2x4096x32xf32, #tpu.memory_space<vmem>>, vector<1x4096x32xf32>
    %get3A_8 = vector.shape_cast %get3A_7 : vector<1x4096x32xf32> to vector<4096x32xf32>
    %add3A = arith.addf %get3A_3, %get3A_8 : vector<4096x32xf32>
    %transpose3A = tpu.transpose %add3A, [1, 0] : vector<4096x32xf32> -> vector<32x4096xf32>
    %swap3A = arith.constant 0 : index
    %swap3A_9 = arith.constant 0 : index
    %swap3A_10 = vector.load %arg1[%swap3A, %swap3A_9] : memref<32x4096xf32, #tpu.memory_space<vmem>>, vector<32x4096xf32>
    tpu.vector_store %arg1[%swap3A, %swap3A_9], %transpose3A {strides = array<i32>} : memref<32x4096xf32, #tpu.memory_space<vmem>>, vector<32x4096xf32>,
    return
  }
}

</mosaic_0001>

<sc_bundles>
// kernel: _run.5.cloned.1.call-start
scs
__scs_entry_jumppad:
0x0: {  	(pc) =	sbr.rel $0x88, $3  }
0x1: {  	(tag) =	ssettag $0x0;
	lr =	simm.s32 $0x1  }
0x2: {  	[smem:$0x3F9D] =	sst lr;
	_ =	strace $0xD0000000  }
0x3: {  	_ = 	snop  }
0x4: {  	_ = 	snop  }
0x5: {  	_ = 	snop  }
0x6: {  	_ = 	snop  }
0x7: {  	_ = 	snop  }
__scs_overlays_trampoline_lowered:
0x8: {  	[smem:$0x3FAC] =	sst s0  }
0x9: {  	[smem:$0x3FAD] =	sst s1  }
0xa: {  	[smem:$0x3FAE] =	sst s2  }
0xb: {  	[smem:$0x3FAF] =	sst s3  }
0xc: {  	[smem:$0x3FB0] =	sst s4  }
0xd: {  	[smem:$0x3FB1] =	sst s5  }
0xe: {  	[smem:$0x3FB2] =	sst s6  }
0xf: {  	[smem:$0x3FB3] =	sst s7  }
0x10: {  	[smem:$0x3FB4] =	sst s8  }
0x11: {  	[smem:$0x3FB5] =	sst s9;
	s0 =	simm.s32 @!p0 $0x0  }
0x12: {  	s1 =	sld [smem:$0x3F9B];
	s0 =	simm.s32 @p0 $0x1  }
0x13: {  	[smem:$0x3FB6] =	sst s0;
	s0 =	simm.s32 @!p1 $0x0  }
0x14: {  	s2 =	sld [smem:$0x3F9A];
	s0 =	simm.s32 @p1 $0x1  }
0x15: {  	[smem:$0x3FB7] =	sst s0;
	s0 =	simm.s32 @!p2 $0x0  }
0x16: {  	s3 =	sld [smem:$0x3FDB];
	s0 =	simm.s32 @p2 $0x1  }
0x17: {  	s4 =	simm.s32 $0x1BF5;
	[smem:$0x3FB9] =	sst s0  }
0x18: {  	s0 =	sld [smem:$0x3F9C];
	_ =	swait.ge [sflag:s4], $0x0  }
0x19: {  	s7 =	sld [smem:$0x3F9D]  }
0x1a: {  	s8 =	sadd.s32 $0xFFFFE003, lr  }
0x1b: {  	s9 =	sadd.s32 $0xFFFFFEF7, lr;
	s5 =	simm.s32 $0xFFFFFFFF;
	p2 =	slt.u32 s8, $0xFFFFF086  }
0x1c: {  	p1 =	slt.u32 s9, $0xF7A;
	s5 =	simm.s32 @!p2 $0x0  }
0x1d: {  	s5 =	simm.s32 @p1 $0x1;
	p0 =	seq.s32 s7, s2  }
0x1e: {  	s7 =	smul.u32 @!p0 $0xF7A, s2;
	p2 =	seq.s32 @!p0 s5, $0x0  }
0x1f: {  	s9 =	smul.u32 $0xF7A, s1;
	s8 =	simm.s32 @!p0 $0x1BF5;
	p2 =	por !p2, p0  }
0x20: {  	[sflag:s8] =	ssyncset.s32 @!p0 $0xFFFFF086;
	s6 =	sadd.s32 @!p0 s3, s7;
	s7 =	simm.s32 @!p0 $0x108  }
0x21: {  	s3 =	sadd.s32 s3, s9;
	s6 =	sadd.s32 @!p0 $0x88, s6;
	s7 =	simm.s32 @p2 $0x1082  }
0x22: {  	[simem:s7], [sflag:s8] =	dma.local @!p0 [hbm:s6], $0xF7A  }
0x23: {  	s9 =	sor.u32 $0xD0000000, s2;
	s6 =	simm.s32 $0x108;
	_ =	swait.ge @!p0 [sflag:s8], $0x0  }
0x24: {  	s3 =	sadd.s32 $0x88, s3;
	s6 =	simm.s32 @!p1 $0x1082;
	[sflag:s4] =	ssyncset.s32 $0xFFFFF086  }
0x25: {  	[simem:s6], [sflag:s4] =	dma.local [hbm:s3], $0xF7A  }
0x26: {  	[smem:$0x3F9D] =	sst s1;
	(tag) =	ssettag s2;
	_ =	strace s9  }
0x27: {  	s1 =	sld [smem:$0x3FAD]  }
0x28: {  	s2 =	sld [smem:$0x3FAE]  }
0x29: {  	s4 =	sld [smem:$0x3FB0]  }
0x2a: {  	p0 =	seq.s32 s5, $0x0;
	s5 =	sld [smem:$0x3FB1]  }
0x2b: {  	s6 =	sld [smem:$0x3FB2]  }
0x2c: {  	s7 =	sld [smem:$0x3FB3]  }
0x2d: {  	s3 =	simm.s32 $0x108;
	s8 =	sld [smem:$0x3FB4]  }
0x2e: {  	s3 =	simm.s32 @!p0 $0x1082;
	s9 =	sld [smem:$0x3FB5]  }
0x2f: {  	lr =	sadd.s32 s0, s3;
	s0 =	sld [smem:$0x3FAC]  }
0x30: {  	s3 =	sld [smem:$0x3FAF]  }
0x31: {  	[smem:$0x3FB8] =	sst s10  }
0x32: {  	s10 =	sld [smem:$0x3FB6];
	_ =	sdelay $0x3  }
0x33: {  	p0 =	seq.s32 s10, $0x1;
	s10 =	sld [smem:$0x3FB8];
	_ =	sdelay $0x3  }
0x34: {  	[smem:$0x3FB8] =	sst s10  }
0x35: {  	s10 =	sld [smem:$0x3FB7];
	_ =	sdelay $0x3  }
0x36: {  	p1 =	seq.s32 s10, $0x1;
	s10 =	sld [smem:$0x3FB8];
	_ =	sdelay $0x3  }
0x37: {  	[smem:$0x3FB8] =	sst s10  }
0x38: {  	s10 =	sld [smem:$0x3FB9]  }
0x39: {  	_ = 	snop;
	(pc) =	sbr.ind lr, $3  }
0x3a: {  	_ = 	snop  }
0x3b: {  	_ = 	snop  }
0x3c: {  	p2 =	seq.s32 s10, $0x1;
	s10 =	sld [smem:$0x3FB8]  }
0x3d: {  	_ =	shalt  }
0x3e: {  	_ =	shalt  }
0x3f: {  	_ =	shalt  }
0x40: {  	_ =	shalt  }
0x41: {  	_ =	shalt  }
0x42: {  	_ =	shalt  }
0x43: {  	_ =	shalt  }
0x44: {  	_ =	shalt  }
0x45: {  	_ =	shalt  }
0x46: {  	_ =	shalt  }
0x47: {  	_ =	shalt  }
0x48: {  	_ =	shalt  }
0x49: {  	_ =	shalt  }
0x4a: {  	_ =	shalt  }
0x4b: {  	_ =	shalt  }
0x4c: {  	_ =	shalt  }
0x4d: {  	_ =	shalt  }
0x4e: {  	_ =	shalt  }
0x4f: {  	_ =	shalt  }
0x50: {  	_ =	shalt  }
0x51: {  	_ =	shalt  }
0x52: {  	_ =	shalt  }
0x53: {  	_ =	shalt  }
0x54: {  	_ =	shalt  }
0x55: {  	_ =	shalt  }
0x56: {  	_ =	shalt  }
0x57: {  	_ =	shalt  }
0x58: {  	_ =	shalt  }
0x59: {  	_ =	shalt  }
0x5a: {  	_ =	shalt  }
0x5b: {  	_ =	shalt  }
0x5c: {  	_ =	shalt  }
0x5d: {  	_ =	shalt  }
0x5e: {  	_ =	shalt  }
0x5f: {  	_ =	shalt  }
0x60: {  	_ =	shalt  }
0x61: {  	_ =	shalt  }
0x62: {  	_ =	shalt  }
0x63: {  	_ =	shalt  }
0x64: {  	_ =	shalt  }
0x65: {  	_ =	shalt  }
0x66: {  	_ =	shalt  }
0x67: {  	_ =	shalt  }
0x68: {  	_ =	shalt  }
0x69: {  	_ =	shalt  }
0x6a: {  	_ =	shalt  }
0x6b: {  	_ =	shalt  }
0x6c: {  	_ =	shalt  }
0x6d: {  	_ =	shalt  }
0x6e: {  	_ =	shalt  }
0x6f: {  	_ =	shalt  }
0x70: {  	_ =	shalt  }
0x71: {  	_ =	shalt  }
0x72: {  	_ =	shalt  }
0x73: {  	_ =	shalt  }
0x74: {  	_ =	shalt  }
0x75: {  	_ =	shalt  }
0x76: {  	_ =	shalt  }
0x77: {  	_ =	shalt  }
0x78: {  	_ =	shalt  }
0x79: {  	_ =	shalt  }
0x7a: {  	_ =	shalt  }
0x7b: {  	_ =	shalt  }
0x7c: {  	_ =	shalt  }
0x7d: {  	_ =	shalt  }
0x7e: {  	_ =	shalt  }
0x7f: {  	_ =	shalt  }
0x80: {  	_ =	shalt  }
0x81: {  	_ =	shalt  }
0x82: {  	_ =	shalt  }
0x83: {  	_ =	shalt  }
0x84: {  	_ =	shalt  }
0x85: {  	_ =	shalt  }
0x86: {  	_ =	shalt  }
0x87: {  	_ =	shalt  }
.Lfunc_end0:
.L_simem_size_0:
called_computation_lowered:
.L_overlay_start_0:
0x88: {  	s2 =	sld [smem:$0x3FD9]  }
0x89: {  	s3 =	sld [smem:$0x3FFE];
	_ =	sdelay $0x1  }
0x8a: {  	s1 =	srdreg.scid  }
0x8b: {  	s0 =	sand.u32 $0x1, s1  }
0x8c: {  	s17 =	sshll.u32 s0, $0xA;
	s2 =	sadd.s32 s3, s2  }
0x8d: {  	s2 =	sadd.s32 s2, s17  }
0x8e: {  	[smem:$0x3FC4] =	sst s2  }
0x8f: {  	_ = 	snop  }
0x90: {  	s2 =	sld [smem:$0x3FC9]  }
0x91: {  	s18 =	sld [smem:$0x3FC8]  }
0x92: {  	s4 =	sld [smem:$0x3FC7];
	(tm) =	ssettm $0x1  }
0x93: {  	s5 =	sld [smem:$0x3FFB];
	_ =	sdelay $0x3  }
0x94: {  	_ =	strace s5  }
0x95: {  	s5 =	sld [smem:$0x3FFC];
	_ =	sdelay $0x3  }
0x96: {  	_ =	strace s5  }
0x97: {  	s5 =	sld [smem:$0x3FFD];
	_ =	sdelay $0x3  }
0x98: {  	_ =	strace s5  }
0x99: {  	_ =	strace $0x8FFFFFFF  }
0x9a: {  	s19 =	sld [smem:$0x3FDB];
	_ =	sdelay $0x1  }
0x9b: {  	s6 =	simm.s32 $_scs_section_size  }
0x9c: {  	s7 =	simm.s32 $_size__tile_overlayer_lowered;
	s8 =	simm.s32 $_tile_overlayer_lowered  }
0x9d: {  	s22 =	simm.s32 $0x1BFF;
	s21 =	sshll.u32 s8, $0x1;
	s5 =	sadd.s32 s6, s19  }
0x9e: {  	s9 =	simm.s32 $0x0;
	s20 =	sshll.u32 s7, $0x1;
	s7 =	sadd.s32 s21, s5  }
0x9f: {  	[timem:s9], [sflag:s22] =	dma.local [hbm:s7], s20  }
0xa0: {  	_ =	swait.ge [sflag:s22], s20  }
0xa1: {  	s6 =	ssub.s32 $0x0, s20;
	[sflag:s22] =	ssyncset.done $0x0  }
0xa2: {  	[sflag:s22] =	ssyncadd.s32 s6;
	_ =	sdelay $0x1  }
0xa3: {  	s23 =	simm.s32 $0x1B8B  }
0xa4: {  	_ =	swait.ge [sflag:s23], $0x1  }
0xa5: {  	[sflag:s23] =	ssyncset.done $0x0  }
0xa6: {  	s25 =	simm.s32 $0x1B8E;
	s24 =	sld [smem:$0x3FFE];
	[sflag:s23] =	ssyncadd.s32 $0xFFFFFFFF  }
0xa7: {  	s26 =	simm.s32 $execute0_lowered;
	[smem:$0x3FD2] =	sst s25  }
0xa8: {  	s7 =	sshll.u32 s26, $0x1;
	_ =	strace $0x80000046;
	[dreg:$0x1] =	wrdreg $0xFFFFFFFF  }
0xa9: {  	s28 =	simm.s32 $_size_execute0_lowered;
	s5 =	sadd.s32 s5, s7;
	[dreg:$0x0] =	wrdreg $0x0  }
0xaa: {  	s7 =	sshll.u32 s28, $0x1;
	[dreg:$0x2] =	wrdreg s5  }
0xab: {  	[dreg:$0x3] =	wrdreg s7  }
0xac: {  	[dreg:$0x4] =	wrdreg $0xC0  }
0xad: {  	_ =	task [dreg:s9], $0x5FFFF  }
0xae: {  	[dreg:$0x1] =	wrdreg $0xFFFFFFFF  }
0xaf: {  	[dreg:$0x0] =	wrdreg $0x60  }
0xb0: {  	[dreg:$0x2] =	wrdreg s2  }
0xb1: {  	[dreg:$0x3] =	wrdreg s18  }
0xb2: {  	[dreg:$0x4] =	wrdreg s4  }
0xb3: {  	[dreg:$0x5] =	wrdreg s24  }
0xb4: {  	[dreg:$0x6] =	wrdreg $0x74000  }
0xb5: {  	[dreg:$0x7] =	wrdreg $0x9  }
0xb6: {  	_ =	task.clear_ibuf [dreg:s9], $0x8FFFF;
	_ =	strace $0x90000046  }
0xb7: {  	s29 =	simm.s32 $0x9;
	_ =	strace $0x80000048  }
0xb8: {  	_ =	swait.ge [sflag:s29], $0x1  }
0xb9: {  	[sflag:s29] =	ssyncadd.s32 $0xFFFFFFFF  }
0xba: {  	_ =	strace $0x90000048  }
0xbb: {  	_ =	sfence  }
0xbc: {  	s30 =	sld [smem:$0x0];
	_ =	sdelay $0x2  }
0xbd: {  	s31 =	sshll.u32 s1, $0xD;
	s1 =	sshrl.u32 s1, $0x2  }
0xbe: {  	s3 =	sand.u32 $0x4000, s31;
	s1 =	sadd.s32 s1, s30  }
0xbf: {  	s0 =	sor.u32 s3, s0;
	s1 =	sshll.u32 s1, $0x11  }
0xc0: {  	s0 =	sor.u32 s1, s0  }
0xc1: {  	s0 =	sadd.s32 $0x8F2B, s0  }
0xc2: {  	[sflag:s0] =	ssyncadd.remote.s32 $0x1  }
0xc3: {  	_ =	sfence.sel $0xFFFF  }
0xc4: {  	[dreg:$0x0] =	wrdreg $0xFFFFFFFF;
	(pc) =	sbr.abs _section_cstart, $3  }
0xc5: {  	[dreg:$0x1] =	wrdreg $0xFFFFFFFF  }
0xc6: {  	_ =	task.clear_ibuf [dreg:s9], $0x2FFFF;
	_ =	strace $0x9FFFFFFF  }
0xc7: {  	(tm) =	ssettm $0x7FFFFFFF  }
tec
execute0_lowered:
.L_overlay_start_1:
0x0: {  	(tag) =	ssettag $0x1  }
0x1: {  	s0 =	rddreg [dreg:$0x0]  }
0x2: {  	s9 =	rddreg [dreg:$0x1]  }
0x3: {  	s8 =	rddreg [dreg:$0x2]  }
0x4: {  	s5 =	rddreg [dreg:$0x3]  }
0x5: {  	s1 =	rddreg [dreg:$0x4]  }
0x6: {  	s2 =	simm.s32 $0x0;
	s6 =	srdreg.scid;
	s3 =	stileid.u32  }
0x7: {  	s13 =	simm.s32 $0x3;
	s15 =	simm.s32 $0x2700;
	s16 =	simm.s32 $0x80  }
0x8: {  	s17 =	simm.s32 $0xD00;
	s18 =	simm.s32 $0xD80;
	s19 =	simm.s32 $0x4400  }
0x9: {  	s20 =	simm.s32 $0x1;
	s21 =	simm.s32 $0x5400;
	s22 =	simm.s32 $0x2  }
0xa: {  	s23 =	simm.s32 $0x6400;
	[smem:$0x7FF] =	sst s2;
	s6 =	sand.u32 $0x1, s6  }
0xb: {  	s4 =	sadd.s32 $0x400, s5;
	s7 =	sshll.u32 s3, $0xD;
	s10 =	sshll.u32 s6, $0x11  }
0xc: {  	s11 =	sshll.u32 s6, $0x4;
	s6 =	ssub.s32 $0x2, s6;
	s10 =	sor.u32 s7, s10  }
0xd: {  	s11 =	sor.u32 s3, s11;
	s12 =	sshrl.u32 s6, $0x1;
	s10 =	sshrl.u32 s10, $0x3  }
0xe: {  	s11 =	smul.u32 $0x1A0, s11;
	s10 =	sadd.s32 s10, s5;
	s5 =	sadd.s32 s7, s1  }
0xf: {  	_ =	strace $0x80000047;
	s12 =	ssub.s32 s6, s12;
	s6 =	sadd.s32 $0x1000, s5  }
0x10: {  	s7 =	sadd.s32 s0, s11;
	s8 =	sadd.s32 s8, s11;
	s9 =	sadd.s32 s9, s11  }
0x11: {  	v0 =	vimm.f32 $0.0e+00;
	s10 =	sadd.s32 $0x3E0400, s10;
	s11 =	smax.u32 s12, $0x1;
	s12 =	simm.s32 $0x3400  }
.LBB2_1:
0x12: {  	s0 =	simm.s32 $0x80;
	s24 =	simm.s32 $0x0  }
.LBB2_2:
0x13: {  	p0 =	sne.s32 s0, $0x3F80;
	[tilespmem:s24+$0x3400] =	vst v0;
	s25 =	smov.u32 s0;
	s0 =	sadd.s32 $0x80, s0  }
.Ltmp0:
0x14: {  	[tilespmem:s24+$0x3410] =	vst v0;
	(pc) =	sbr.rel @p0 .LBB2_2-.Ltmp0, $2  }
0x15: {  	_ =	sdelay $0x2  }
0x16: {  	s24 =	sshra.s32 s25, $0x2  }
0x17: {  	[tilespmem:s24+$0x3400] =	vst v0  }
0x18: {  	[tilespmem:s24+$0x3410] =	vst v0  }
0x19: {  	[spmem:s5] =	stream.linear.scatter [tilespmem:s12], [sflag:$0x3], $0x1000, $0x38;
	[tilespmem:$0x9400] =	vst v63  }
0x1a: {  	_ =	swait.ge [sflag:s13], $0x1000  }
0x1b: {  	[sflag:s13] =	ssyncset.done $0x0  }
0x1c: {  	[sflag:s13] =	ssyncadd.s32 $0xFFFFF000  }
0x1d: {  	[spmem:s6] =	stream.linear.scatter [tilespmem:s12], [sflag:$0x3], $0x1000, $0x38;
	[tilespmem:$0x9400] =	vst v63  }
0x1e: {  	_ =	swait.ge [sflag:s13], $0x1000  }
0x1f: {  	[sflag:s13] =	ssyncset.done $0x0  }
0x20: {  	[sflag:s13] =	ssyncadd.s32 $0xFFFFF000  }
0x21: {  	s0 =	simm.s32 $0x0;
	[bflag:$0x0] =	sbarrier.arrive $0xFFFF  }
0x22: {  	[tilespmem:s0], [sflag:$0x3] =	stream.linear.gather [hbm4b:s7+s0], $0xD00, $0x38;
	[tilespmem:$0x9400] =	vst v63  }
0x23: {  	_ =	swait.ge [sflag:s13], $0xD00  }
0x24: {  	[sflag:s13] =	ssyncset.done $0x0  }
0x25: {  	s14 =	simm.s32 $0x1A00;
	[sflag:s13] =	ssyncadd.s32 $0xFFFFF300  }
0x26: {  	[tilespmem:s14], [sflag:$0x3] =	stream.linear.gather [hbm4b:s8+s0], $0xD00, $0x38;
	[tilespmem:$0x9400] =	vst v63  }
0x27: {  	_ =	swait.ge [sflag:s13], $0xD00  }
0x28: {  	[sflag:s13] =	ssyncset.done $0x0  }
0x29: {  	[sflag:s13] =	ssyncadd.s32 $0xFFFFF300  }
0x2a: {  	[tilespmem:s15], [sflag:$0x3] =	stream.linear.gather [hbm4b:s9+s0], $0xD00, $0x38;
	[tilespmem:$0x9400] =	vst v63  }
0x2b: {  	_ =	swait.ge [sflag:s13], $0xD00  }
0x2c: {  	[sflag:s13] =	ssyncset.done $0x0  }
0x2d: {  	s24 =	simm.s32 $0x0;
	[sflag:s13] =	ssyncadd.s32 $0xFFFFF300  }
0x2e: {  	v1 =	vld [tilespmem:s24+$0x70]  }
0x2f: {  	v2 =	vld [tilespmem:s24+$0x0]  }
0x30: {  	v3 =	vld [tilespmem:s24+$0x10]  }
0x31: {  	v4 =	vld [tilespmem:s24+$0x20]  }
0x32: {  	v6 =	vld [tilespmem:s24+$0x30]  }
0x33: {  	v7 =	vld [tilespmem:s24+$0x40]  }
0x34: {  	v8 =	vld [tilespmem:s24+$0x50]  }
0x35: {  	v11 =	vld [tilespmem:s24+$0x60]  }
0x36: {  	v5 =	vshll.u32 v1, $0x2  }
0x37: {  	v9 =	vand.u32 $0xFFFF8000, v1;
	v1 =	vshrl.u32 v1, $0xD;
	v10 =	vshll.u32 v2, $0x2  }
0x38: {  	v12 =	vshll.u32 v4, $0x2;
	v13 =	vand.u32 $0xFFFF8000, v3;
	v20 =	vand.u32 $0xFFFF8000, v4  }
0x39: {  	v4 =	vshrl.u32 v4, $0xD;
	v21 =	vand.u32 $0xFFFF8000, v6;
	v22 =	vand.u32 $0xFFFF8000, v7  }
0x3a: {  	v15 =	vand.u32 $0xFFFF8000, v8;
	v16 =	vand.u32 $0xFFFF8000, v11;
	v5 =	vand.u32 $0x7FFC, v5  }
0x3b: {  	v1 =	vand.u32 $0x3, v1;
	v10 =	vand.u32 $0x7FFC, v10;
	v17 =	vand.u32 $0x7FFC, v12  }
0x3c: {  	v12 =	vand.u32 $0xFFFF8000, v2;
	v5 =	vor.u32 v9, v5;
	v9 =	vshll.u32 v3, $0x2  }
0x3d: {  	v3 =	vshrl.u32 v3, $0xD;
	v12 =	vor.u32 v12, v10;
	v14 =	vor.u32 v1, v5  }
0x3e: {  	v9 =	vand.u32 $0x7FFC, v9;
	v1 =	vshll.u32 v6, $0x2;
	v5 =	vshll.u32 v8, $0x2  }
0x3f: {  	v6 =	vshrl.u32 v6, $0xD;
	v8 =	vshrl.u32 v8, $0xD;
	v18 =	vand.u32 $0x7FFC, v1  }
0x40: {  	v1 =	vshll.u32 v7, $0x2;
	v7 =	vshrl.u32 v7, $0xD;
	v9 =	vor.u32 v13, v9  }
0x41: {  	v13 =	vshrl.u32 v11, $0xD;
	[tilespmem:s24+$0xD70] =	vst v14;
	v14 =	vor.u32 v20, v17;
	v19 =	vand.u32 $0x7FFC, v1  }
0x42: {  	v1 =	vshrl.u32 v2, $0xD;
	v2 =	vand.u32 $0x7FFC, v5;
	v5 =	vshll.u32 v11, $0x2  }
0x43: {  	s25 =	simm.s32 $0x80;
	s0 =	simm.s32 $0x400;
	v10 =	vor.u32 v21, v18;
	v5 =	vand.u32 $0x7FFC, v5;
	v11 =	vor.u32 v22, v19  }
.LBB2_4:
0x44: {  	p0 =	sne.s32 s0, $0x3200;
	v17 =	vld [tilespmem:s25+$0x70];
	v1 =	vand.u32 $0x3, v1;
	v2 =	vor.u32 v15, v2;
	v5 =	vor.u32 v16, v5  }
0x45: {  	v3 =	vand.u32 $0x3, v3;
	v4 =	vand.u32 $0x3, v4;
	v6 =	vand.u32 $0x3, v6;
	v15 =	vld [tilespmem:s25+$0x0]  }
0x46: {  	v7 =	vand.u32 $0x3, v7;
	v8 =	vand.u32 $0x3, v8;
	v13 =	vand.u32 $0x3, v13;
	v16 =	vld [tilespmem:s25+$0x10]  }
0x47: {  	v1 =	vor.u32 v1, v12;
	v3 =	vor.u32 v3, v9;
	v4 =	vor.u32 v4, v14;
	v18 =	vld [tilespmem:s25+$0x20]  }
0x48: {  	v2 =	vor.u32 v8, v2;
	v9 =	vld [tilespmem:s25+$0x30];
	[tilespmem:s24+$0xD00] =	vst v1;
	v1 =	vor.u32 v6, v10;
	v6 =	vor.u32 v7, v11  }
0x49: {  	v7 =	vld [tilespmem:s25+$0x40];
	v8 =	vshll.u32 v17, $0x2;
	[tilespmem:s24+$0xD10] =	vst v3;
	v3 =	vor.u32 v13, v5  }
0x4a: {  	v5 =	vand.u32 $0xFFFF8000, v17;
	v11 =	vshrl.u32 v17, $0xD;
	v10 =	vld [tilespmem:s25+$0x50];
	v8 =	vand.u32 $0x7FFC, v8;
	[tilespmem:s24+$0xD20] =	vst v4  }
0x4b: {  	v4 =	vshll.u32 v15, $0x2;
	v13 =	vld [tilespmem:s25+$0x60];
	v5 =	vor.u32 v5, v8;
	v8 =	vand.u32 $0x3, v11;
	[tilespmem:s24+$0xD30] =	vst v1  }
0x4c: {  	v1 =	vshll.u32 v16, $0x2;
	v11 =	vshll.u32 v18, $0x2;
	v5 =	vor.u32 v8, v5;
	[tilespmem:s24+$0xD40] =	vst v6  }
0x4d: {  	v12 =	vand.u32 $0x7FFC, v4;
	v14 =	vand.u32 $0x7FFC, v1;
	v1 =	vshll.u32 v9, $0x2;
	[tilespmem:s25+$0xD70] =	vst v5  }
0x4e: {  	v11 =	vand.u32 $0x7FFC, v11;
	v17 =	vand.u32 $0x7FFC, v1;
	v1 =	vshll.u32 v7, $0x2;
	[tilespmem:s24+$0xD50] =	vst v2  }
0x4f: {  	v19 =	vand.u32 $0xFFFF8000, v15;
	v20 =	vand.u32 $0x7FFC, v1;
	v2 =	vshll.u32 v10, $0x2;
	[tilespmem:s24+$0xD60] =	vst v3;
	s24 =	smov.u32 s25  }
0x50: {  	v1 =	vshrl.u32 v15, $0xD;
	v2 =	vand.u32 $0x7FFC, v2;
	v4 =	vshll.u32 v13, $0x2  }
0x51: {  	v21 =	vand.u32 $0xFFFF8000, v16;
	v3 =	vshrl.u32 v16, $0xD;
	v5 =	vand.u32 $0x7FFC, v4  }
.Ltmp1:
0x52: {  	v22 =	vand.u32 $0xFFFF8000, v18;
	v4 =	vshrl.u32 v18, $0xD;
	v18 =	vand.u32 $0xFFFF8000, v9;
	(pc) =	sbr.rel @p0 .LBB2_4-.Ltmp1, $4  }
0x53: {  	v6 =	vshrl.u32 v9, $0xD;
	v23 =	vand.u32 $0xFFFF8000, v7;
	v7 =	vshrl.u32 v7, $0xD  }
0x54: {  	v15 =	vand.u32 $0xFFFF8000, v10;
	v8 =	vshrl.u32 v10, $0xD;
	v16 =	vand.u32 $0xFFFF8000, v13  }
0x55: {  	v12 =	vor.u32 v19, v12;
	v13 =	vshrl.u32 v13, $0xD;
	v9 =	vor.u32 v21, v14  }
0x56: {  	s25 =	sshra.s32 s0, $0x2;
	s0 =	sadd.s32 $0x200, s0;
	v14 =	vor.u32 v22, v11;
	v11 =	vor.u32 v23, v20;
	v10 =	vor.u32 v18, v17  }
0x57: {  	v17 =	vld [tilespmem:s25+$0x70]  }
0x58: {  	v18 =	vld [tilespmem:s25+$0x0]  }
0x59: {  	v19 =	vld [tilespmem:s25+$0x10];
	v1 =	vand.u32 $0x3, v1;
	v2 =	vor.u32 v15, v2  }
0x5a: {  	v38 =	vld [tilespmem:s25+$0x20];
	v5 =	vor.u32 v16, v5;
	v3 =	vand.u32 $0x3, v3;
	v4 =	vand.u32 $0x3, v4  }
0x5b: {  	v39 =	vld [tilespmem:s25+$0x30];
	v6 =	vand.u32 $0x3, v6;
	v7 =	vand.u32 $0x3, v7;
	v40 =	vand.u32 $0x3, v13  }
0x5c: {  	v1 =	vor.u32 v1, v12;
	v3 =	vor.u32 v3, v9;
	v4 =	vor.u32 v4, v14  }
0x5d: {  	v6 =	vor.u32 v6, v10;
	v7 =	vor.u32 v7, v11;
	[tilespmem:s24+$0xD00] =	vst v1;
	v1 =	vand.u32 $0x3, v8  }
0x5e: {  	v41 =	vld [tilespmem:s25+$0x40];
	[tilespmem:s24+$0xD10] =	vst v3;
	v1 =	vor.u32 v1, v2;
	v3 =	vor.u32 v40, v5;
	v2 =	vshll.u32 v17, $0x2  }
0x5f: {  	v43 =	vand.u32 $0xFFFF8000, v17;
	v44 =	vshrl.u32 v17, $0xD;
	v45 =	vshll.u32 v18, $0x2  }
0x60: {  	v48 =	vshll.u32 v19, $0x2;
	v49 =	vshll.u32 v38, $0x2;
	v51 =	vshll.u32 v39, $0x2  }
0x61: {  	v53 =	vand.u32 $0xFFFF8000, v18;
	v18 =	vshrl.u32 v18, $0xD;
	v21 =	vand.u32 $0xFFFF8000, v19  }
0x62: {  	v19 =	vshrl.u32 v19, $0xD;
	v55 =	vand.u32 $0xFFFF8000, v38;
	v15 =	vshrl.u32 v38, $0xD  }
0x63: {  	v22 =	vand.u32 $0xFFFF8000, v39;
	v56 =	vshrl.u32 v39, $0xD;
	v2 =	vand.u32 $0x7FFC, v2  }
0x64: {  	v42 =	vld [tilespmem:s25+$0x50];
	[tilespmem:s24+$0xD20] =	vst v4;
	v47 =	vand.u32 $0x3, v44;
	v4 =	vand.u32 $0x7FFC, v45;
	v50 =	vand.u32 $0x7FFC, v48  }
0x65: {  	v13 =	vand.u32 $0x7FFC, v49;
	v10 =	vand.u32 $0x7FFC, v51;
	v59 =	vand.u32 $0x3, v18  }
0x66: {  	v46 =	vld [tilespmem:s25+$0x60];
	[tilespmem:s24+$0xD40] =	vst v7;
	v60 =	vand.u32 $0x3, v19;
	v61 =	vand.u32 $0x3, v15;
	v7 =	vand.u32 $0x3, v56  }
0x67: {  	[tilespmem:s24+$0xD30] =	vst v6;
	v2 =	vor.u32 v43, v2;
	v8 =	vor.u32 v21, v50;
	v6 =	vor.u32 v55, v13  }
0x68: {  	v2 =	vor.u32 v47, v2;
	v52 =	vshll.u32 v41, $0x2;
	v57 =	vand.u32 $0xFFFF8000, v41  }
0x69: {  	v9 =	vshrl.u32 v41, $0xD;
	v8 =	vor.u32 v60, v8;
	v6 =	vor.u32 v61, v6;
	[tilespmem:s25+$0xD70] =	vst v2  }
0x6a: {  	v14 =	vand.u32 $0x7FFC, v52;
	v54 =	vshll.u32 v42, $0x2;
	v2 =	vor.u32 v53, v4;
	[tilespmem:s24+$0xD50] =	vst v1  }
0x6b: {  	v58 =	vand.u32 $0xFFFF8000, v42;
	v5 =	vshrl.u32 v42, $0xD;
	[tilespmem:s24+$0xD60] =	vst v3;
	v2 =	vor.u32 v59, v2  }
0x6c: {  	v9 =	vand.u32 $0x3, v9;
	v17 =	vand.u32 $0x7FFC, v54;
	v20 =	vshll.u32 v46, $0x2;
	[tilespmem:s25+$0xD00] =	vst v2  }
0x6d: {  	v1 =	vand.u32 $0xFFFF8000, v46;
	v3 =	vshrl.u32 v46, $0xD;
	v62 =	vor.u32 v57, v14;
	[tilespmem:s25+$0xD10] =	vst v8  }
0x6e: {  	v5 =	vand.u32 $0x3, v5;
	v2 =	vor.u32 v22, v10;
	[tilespmem:s25+$0xD20] =	vst v6;
	v63 =	vor.u32 v9, v62  }
0x6f: {  	v20 =	vand.u32 $0x7FFC, v20;
	v4 =	vor.u32 v58, v17;
	v2 =	vor.u32 v7, v2;
	[tilespmem:s25+$0xD40] =	vst v63  }
0x70: {  	v1 =	vor.u32 v1, v20;
	[tilespmem:s25+$0xD30] =	vst v2;
	v2 =	vand.u32 $0x3, v3;
	v3 =	vor.u32 v5, v4  }
0x71: {  	v1 =	vor.u32 v2, v1;
	[tilespmem:s25+$0xD50] =	vst v3  }
0x72: {  	[tilespmem:s25+$0xD60] =	vst v1  }
0x73: {  	[tilespmem:s12], [sflag:$0x1] =	stream.indirect.gather [hbm4b:s4+s16], $0x20, s17, s16, $0xb8;
	[tilespmem:$0x9400] =	vst v63  }
0x74: {  	s0 =	simm.s32 $0x2780;
	s24 =	simm.s32 $0x0;
	s25 =	simm.s32 $0x2700  }
0x75: {  	[tilespmem:s19], [sflag:$0x2] =	stream.indirect.gather [hbm4b:s4+s16], $0x20, s18, s16, $0xb8;
	[tilespmem:$0x9400] =	vst v63  }
.LBB2_6:
0x76: {  	_ =	swait.ge [sflag:s20], $0x1000  }
0x77: {  	[sflag:s20] =	ssyncset.done $0x0  }
0x78: {  	s30 =	simm.s32 $0x0;
	[sflag:s20] =	ssyncadd.s32 $0xFFFFF000  }
0x79: {  	v10 =	vld [tilespmem:s30+$0x3400]  }
0x7a: {  	v9 =	vld [tilespmem:s30+$0x3410]  }
0x7b: {  	v8 =	vld [tilespmem:s30+$0x3420]  }
0x7c: {  	v7 =	vld [tilespmem:s30+$0x3430]  }
0x7d: {  	v6 =	vld [tilespmem:s30+$0x3440]  }
0x7e: {  	v5 =	vld [tilespmem:s30+$0x3450]  }
0x7f: {  	v3 =	vld [tilespmem:s30+$0x3460]  }
0x80: {  	v4 =	vld [tilespmem:s30+$0x3470]  }
0x81: {  	v2 =	vld [tilespmem:s30+$0x3480]  }
0x82: {  	s28 =	sshll.u32 s24, $0xA;
	s29 =	simm.s32 $0x800;
	s31 =	smov.u32 s25;
	v1 =	vld [tilespmem:s25+$0x0]  }
.LBB2_7:
0x83: {  	p0 =	sne.s32 s29, $0x3800;
	v11 =	vld [tilespmem:s30+$0x3490]  }
0x84: {  	v12 =	vld [tilespmem:s30+$0x34A0]  }
0x85: {  	v13 =	vld [tilespmem:s30+$0x34B0]  }
0x86: {  	v14 =	vld [tilespmem:s30+$0x34C0]  }
0x87: {  	v15 =	vbroadcast v1, $0x0;
	v16 =	vbroadcast v1, $0x1;
	v17 =	vld [tilespmem:s30+$0x34D0]  }
0x88: {  	v18 =	vbroadcast v1, $0x2;
	v19 =	vbroadcast v1, $0x3;
	v20 =	vld [tilespmem:s30+$0x34E0]  }
0x89: {  	v10 =	vmul.f32 v15, v10;
	v9 =	vmul.f32 v9, v15;
	v15 =	vld [tilespmem:s30+$0x34F0]  }
0x8a: {  	v8 =	vmul.f32 v8, v16;
	v7 =	vmul.f32 v7, v16;
	v16 =	vld [tilespmem:s30+$0x3500]  }
0x8b: {  	v6 =	vmul.f32 v6, v18;
	v5 =	vmul.f32 v5, v18;
	[tilespmem:s30+$0x5400] =	vst v10;
	v10 =	vld [tilespmem:s30+$0x3510]  }
0x8c: {  	v3 =	vmul.f32 v3, v19;
	v4 =	vmul.f32 v4, v19;
	[tilespmem:s30+$0x5410] =	vst v9;
	v9 =	vld [tilespmem:s30+$0x3520]  }
0x8d: {  	v18 =	vbroadcast v1, $0x5;
	[tilespmem:s30+$0x5420] =	vst v8;
	v8 =	vbroadcast v1, $0x4;
	v19 =	vld [tilespmem:s30+$0x3530]  }
0x8e: {  	v21 =	vbroadcast v1, $0x7;
	[tilespmem:s30+$0x5430] =	vst v7;
	v7 =	vbroadcast v1, $0x6;
	v22 =	vld [tilespmem:s30+$0x3540]  }
0x8f: {  	[tilespmem:s30+$0x5440] =	vst v6;
	v2 =	vmul.f32 v2, v8;
	v6 =	vmul.f32 v11, v8;
	v8 =	vld [tilespmem:s30+$0x3550]  }
0x90: {  	v11 =	vmul.f32 v13, v18;
	[tilespmem:s30+$0x5450] =	vst v5;
	v5 =	vmul.f32 v12, v18;
	v12 =	vld [tilespmem:s30+$0x3560]  }
0x91: {  	[tilespmem:s30+$0x5460] =	vst v3;
	v3 =	vmul.f32 v14, v7;
	v7 =	vmul.f32 v17, v7;
	v13 =	vld [tilespmem:s30+$0x3570]  }
0x92: {  	v14 =	vmul.f32 v15, v21;
	[tilespmem:s30+$0x5470] =	vst v4;
	v4 =	vmul.f32 v20, v21;
	v15 =	vld [tilespmem:s30+$0x3580]  }
0x93: {  	v17 =	vbroadcast v1, $0x9;
	[tilespmem:s30+$0x5480] =	vst v2;
	v2 =	vbroadcast v1, $0x8;
	v18 =	vld [tilespmem:s30+$0x3590]  }
0x94: {  	v20 =	vbroadcast v1, $0xB;
	[tilespmem:s30+$0x5490] =	vst v6;
	v6 =	vbroadcast v1, $0xA;
	v21 =	vld [tilespmem:s30+$0x35A0]  }
0x95: {  	[tilespmem:s30+$0x54A0] =	vst v5;
	v5 =	vmul.f32 v16, v2;
	v2 =	vmul.f32 v10, v2;
	v10 =	vld [tilespmem:s30+$0x35B0]  }
0x96: {  	v9 =	vmul.f32 v9, v17;
	[tilespmem:s30+$0x54B0] =	vst v11;
	v11 =	vmul.f32 v19, v17;
	v16 =	vld [tilespmem:s30+$0x35C0]  }
0x97: {  	[tilespmem:s30+$0x54C0] =	vst v3;
	v3 =	vmul.f32 v22, v6;
	v6 =	vmul.f32 v8, v6;
	v8 =	vld [tilespmem:s30+$0x35D0]  }
0x98: {  	[tilespmem:s30+$0x54D0] =	vst v7;
	v7 =	vmul.f32 v12, v20;
	v12 =	vmul.f32 v13, v20;
	v13 =	vld [tilespmem:s30+$0x35E0]  }
0x99: {  	v17 =	vbroadcast v1, $0xD;
	[tilespmem:s30+$0x54E0] =	vst v4;
	v4 =	vbroadcast v1, $0xC;
	v19 =	vld [tilespmem:s30+$0x35F0]  }
0x9a: {  	[tilespmem:s30+$0x54F0] =	vst v14;
	v14 =	vbroadcast v1, $0xE;
	v1 =	vbroadcast v1, $0xF  }
0x9b: {  	[tilespmem:s30+$0x5500] =	vst v5;
	v5 =	vmul.f32 v15, v4;
	v4 =	vmul.f32 v18, v4  }
0x9c: {  	v15 =	vmul.f32 v10, v17;
	[tilespmem:s30+$0x5510] =	vst v2;
	v2 =	vmul.f32 v21, v17  }
0x9d: {  	v16 =	vmul.f32 v16, v14;
	v14 =	vmul.f32 v8, v14;
	[tilespmem:s30+$0x5520] =	vst v9  }
0x9e: {  	[tilespmem:s30+$0x5530] =	vst v11;
	v11 =	vmul.f32 v13, v1;
	v1 =	vmul.f32 v19, v1  }
0x9f: {  	[tilespmem:s30+$0x5540] =	vst v3  }
0xa0: {  	[tilespmem:s30+$0x5550] =	vst v6  }
0xa1: {  	s26 =	sshra.s32 s29, $0x2;
	[tilespmem:s30+$0x5560] =	vst v7  }
0xa2: {  	v10 =	vld [tilespmem:s26+$0x3400];
	[tilespmem:s30+$0x5570] =	vst v12  }
0xa3: {  	v9 =	vld [tilespmem:s26+$0x3410];
	[tilespmem:s30+$0x5580] =	vst v5  }
0xa4: {  	v8 =	vld [tilespmem:s26+$0x3420];
	[tilespmem:s30+$0x5590] =	vst v4  }
0xa5: {  	v7 =	vld [tilespmem:s26+$0x3430];
	[tilespmem:s30+$0x55A0] =	vst v2  }
0xa6: {  	v6 =	vld [tilespmem:s26+$0x3440];
	[tilespmem:s30+$0x55B0] =	vst v15  }
.Ltmp2:
0xa7: {  	v5 =	vld [tilespmem:s26+$0x3450];
	[tilespmem:s30+$0x55C0] =	vst v16;
	(pc) =	sbr.rel @p0 .LBB2_7-.Ltmp2, $4  }
0xa8: {  	v3 =	vld [tilespmem:s26+$0x3460];
	[tilespmem:s30+$0x55D0] =	vst v14  }
0xa9: {  	v4 =	vld [tilespmem:s26+$0x3470];
	[tilespmem:s30+$0x55E0] =	vst v11  }
0xaa: {  	s31 =	sadd.s32 $0x10, s31;
	v2 =	vld [tilespmem:s26+$0x3480];
	[tilespmem:s30+$0x55F0] =	vst v1;
	s30 =	smov.u32 s26  }
0xab: {  	s29 =	sadd.s32 $0x800, s29;
	v1 =	vld [tilespmem:s31+$0x0]  }
0xac: {  	_ =	sdelay $0x3  }
0xad: {  	v15 =	vbroadcast v1, $0x0;
	_ =	sdelay $0x1  }
0xae: {  	v20 =	vbroadcast v1, $0x1;
	v10 =	vmul.f32 v15, v10  }
0xaf: {  	v9 =	vmul.f32 v9, v15  }
0xb0: {  	v49 =	vbroadcast v1, $0x2;
	v8 =	vmul.f32 v8, v20;
	[tilespmem:s30+$0x5400] =	vst v10  }
0xb1: {  	v7 =	vmul.f32 v7, v20;
	[tilespmem:s30+$0x5410] =	vst v9  }
0xb2: {  	v11 =	vld [tilespmem:s30+$0x3490];
	v50 =	vbroadcast v1, $0x3;
	v6 =	vmul.f32 v6, v49;
	[tilespmem:s30+$0x5420] =	vst v8  }
0xb3: {  	v12 =	vld [tilespmem:s30+$0x34A0];
	v5 =	vmul.f32 v5, v49;
	[tilespmem:s30+$0x5430] =	vst v7  }
0xb4: {  	v13 =	vld [tilespmem:s30+$0x34B0];
	v51 =	vbroadcast v1, $0x4;
	v3 =	vmul.f32 v3, v50;
	[tilespmem:s30+$0x5440] =	vst v6  }
0xb5: {  	v14 =	vld [tilespmem:s30+$0x34C0];
	v4 =	vmul.f32 v4, v50;
	[tilespmem:s30+$0x5450] =	vst v5  }
0xb6: {  	v16 =	vld [tilespmem:s30+$0x34D0];
	v52 =	vbroadcast v1, $0x5;
	v2 =	vmul.f32 v2, v51;
	[tilespmem:s30+$0x5460] =	vst v3  }
0xb7: {  	v17 =	vld [tilespmem:s30+$0x34E0];
	v11 =	vmul.f32 v11, v51;
	[tilespmem:s30+$0x5470] =	vst v4  }
0xb8: {  	v18 =	vld [tilespmem:s30+$0x34F0];
	v53 =	vbroadcast v1, $0x6;
	v12 =	vmul.f32 v12, v52;
	[tilespmem:s30+$0x5480] =	vst v2  }
0xb9: {  	v19 =	vld [tilespmem:s30+$0x3500];
	v13 =	vmul.f32 v13, v52;
	[tilespmem:s30+$0x5490] =	vst v11  }
0xba: {  	v56 =	vbroadcast v1, $0x7;
	v14 =	vmul.f32 v14, v53;
	v10 =	vld [tilespmem:s30+$0x3510];
	[tilespmem:s30+$0x54A0] =	vst v12  }
0xbb: {  	v15 =	vmul.f32 v16, v53;
	v9 =	vld [tilespmem:s30+$0x3520];
	[tilespmem:s30+$0x54B0] =	vst v13  }
0xbc: {  	v59 =	vbroadcast v1, $0x8;
	v58 =	vmul.f32 v17, v56;
	v8 =	vld [tilespmem:s30+$0x3530];
	[tilespmem:s30+$0x54C0] =	vst v14  }
0xbd: {  	v18 =	vmul.f32 v18, v56;
	v7 =	vld [tilespmem:s30+$0x3540];
	[tilespmem:s30+$0x54D0] =	vst v15  }
0xbe: {  	v61 =	vbroadcast v1, $0x9;
	v19 =	vmul.f32 v19, v59;
	v6 =	vld [tilespmem:s30+$0x3550];
	[tilespmem:s30+$0x54E0] =	vst v58  }
0xbf: {  	v5 =	vld [tilespmem:s30+$0x3560];
	[tilespmem:s30+$0x54F0] =	vst v18;
	v10 =	vmul.f32 v10, v59  }
0xc0: {  	v63 =	vbroadcast v1, $0xA;
	v3 =	vld [tilespmem:s30+$0x3570];
	[tilespmem:s30+$0x5500] =	vst v19;
	v9 =	vmul.f32 v9, v61  }
0xc1: {  	v4 =	vld [tilespmem:s30+$0x3580];
	v8 =	vmul.f32 v8, v61;
	[tilespmem:s30+$0x5510] =	vst v10  }
0xc2: {  	v2 =	vld [tilespmem:s30+$0x3590];
	v7 =	vmul.f32 v7, v63;
	v10 =	vbroadcast v1, $0xB;
	[tilespmem:s30+$0x5520] =	vst v9  }
0xc3: {  	v11 =	vld [tilespmem:s30+$0x35A0];
	v6 =	vmul.f32 v6, v63;
	[tilespmem:s30+$0x5530] =	vst v8  }
0xc4: {  	v54 =	vld [tilespmem:s30+$0x35B0];
	v8 =	vbroadcast v1, $0xC;
	[tilespmem:s30+$0x5540] =	vst v7;
	v5 =	vmul.f32 v5, v10  }
0xc5: {  	v55 =	vld [tilespmem:s30+$0x35C0];
	[tilespmem:s30+$0x5550] =	vst v6;
	v3 =	vmul.f32 v3, v10  }
0xc6: {  	v57 =	vld [tilespmem:s30+$0x35D0];
	v6 =	vbroadcast v1, $0xD;
	v4 =	vmul.f32 v4, v8;
	[tilespmem:s30+$0x5560] =	vst v5  }
0xc7: {  	v60 =	vld [tilespmem:s30+$0x35E0];
	v2 =	vmul.f32 v2, v8;
	[tilespmem:s30+$0x5570] =	vst v3  }
0xc8: {  	v62 =	vld [tilespmem:s30+$0x35F0];
	v3 =	vbroadcast v1, $0xE;
	v5 =	vmul.f32 v11, v6;
	[tilespmem:s30+$0x5580] =	vst v4  }
0xc9: {  	v4 =	vmul.f32 v54, v6;
	[tilespmem:s30+$0x5590] =	vst v2  }
0xca: {  	v1 =	vbroadcast v1, $0xF;
	v2 =	vmul.f32 v55, v3;
	[tilespmem:s30+$0x55A0] =	vst v5  }
0xcb: {  	v3 =	vmul.f32 v57, v3;
	[tilespmem:s30+$0x55B0] =	vst v4  }
0xcc: {  	v4 =	vmul.f32 v60, v1;
	[tilespmem:s30+$0x55C0] =	vst v2  }
0xcd: {  	p0 =	seq.s32 s24, $0xC;
	v1 =	vmul.f32 v62, v1;
	[tilespmem:s30+$0x55D0] =	vst v3  }
0xce: {  	s14 =	sshrl.u32 s28, $0x2;
	s29 =	sshrl.u32 @!p0 s28, $0x2;
	[tilespmem:s30+$0x55E0] =	vst v4  }
0xcf: {  	s31 =	simm.s32 @!p0 $0x3400;
	s26 =	sadd.s32 @!p0 $0xE00, s29;
	[tilespmem:s30+$0x55F0] =	vst v1;
	s30 =	simm.s32 @!p0 $0x80  }
0xd0: {  	[tilespmem:s31], [sflag:$0x1] =	stream.indirect.gather @!p0 [hbm4b:s4+s30], $0x20, s26, s30, $0xb8;
	[tilespmem:$0x9400] =	vst v63  }
0xd1: {  	s26 =	sadd.s32 $0x1A00, s14  }
0xd2: {  	[spmem:s1] =	stream.indirect.scatter.add.f32 [tilespmem:s21], [sflag:$0x3], $0x20, s26, s16, $0xb8;
	[tilespmem:$0x9400] =	vst v63  }
0xd3: {  	_ =	swait.ge [sflag:s13], $0x1000  }
0xd4: {  	[sflag:s13] =	ssyncset.done $0x0  }
0xd5: {  	[sflag:s13] =	ssyncadd.s32 $0xFFFFF000  }
0xd6: {  	_ =	swait.ge [sflag:s22], $0x1000  }
0xd7: {  	[sflag:s22] =	ssyncset.done $0x0  }
0xd8: {  	s30 =	simm.s32 $0x0;
	[sflag:s22] =	ssyncadd.s32 $0xFFFFF000  }
0xd9: {  	v10 =	vld [tilespmem:s30+$0x4400]  }
0xda: {  	v9 =	vld [tilespmem:s30+$0x4410]  }
0xdb: {  	v8 =	vld [tilespmem:s30+$0x4420]  }
0xdc: {  	v7 =	vld [tilespmem:s30+$0x4430]  }
0xdd: {  	v6 =	vld [tilespmem:s30+$0x4440]  }
0xde: {  	v5 =	vld [tilespmem:s30+$0x4450]  }
0xdf: {  	v3 =	vld [tilespmem:s30+$0x4460]  }
0xe0: {  	v4 =	vld [tilespmem:s30+$0x4470]  }
0xe1: {  	v2 =	vld [tilespmem:s30+$0x4480]  }
0xe2: {  	s28 =	sor.u32 $0x200, s28;
	s31 =	simm.s32 $0x800;
	s26 =	smov.u32 s0;
	v1 =	vld [tilespmem:s0+$0x0]  }
.LBB2_9:
0xe3: {  	p1 =	sne.s32 s31, $0x3800;
	v11 =	vld [tilespmem:s30+$0x4490]  }
0xe4: {  	v12 =	vld [tilespmem:s30+$0x44A0]  }
0xe5: {  	v13 =	vld [tilespmem:s30+$0x44B0]  }
0xe6: {  	v14 =	vld [tilespmem:s30+$0x44C0]  }
0xe7: {  	v15 =	vbroadcast v1, $0x0;
	v16 =	vbroadcast v1, $0x1;
	v17 =	vld [tilespmem:s30+$0x44D0]  }
0xe8: {  	v18 =	vbroadcast v1, $0x2;
	v19 =	vbroadcast v1, $0x3;
	v20 =	vld [tilespmem:s30+$0x44E0]  }
0xe9: {  	v10 =	vmul.f32 v15, v10;
	v9 =	vmul.f32 v9, v15;
	v15 =	vld [tilespmem:s30+$0x44F0]  }
0xea: {  	v8 =	vmul.f32 v8, v16;
	v7 =	vmul.f32 v7, v16;
	v16 =	vld [tilespmem:s30+$0x4500]  }
0xeb: {  	v6 =	vmul.f32 v6, v18;
	v5 =	vmul.f32 v5, v18;
	[tilespmem:s30+$0x6400] =	vst v10;
	v10 =	vld [tilespmem:s30+$0x4510]  }
0xec: {  	v3 =	vmul.f32 v3, v19;
	v4 =	vmul.f32 v4, v19;
	[tilespmem:s30+$0x6410] =	vst v9;
	v9 =	vld [tilespmem:s30+$0x4520]  }
0xed: {  	v18 =	vbroadcast v1, $0x5;
	[tilespmem:s30+$0x6420] =	vst v8;
	v8 =	vbroadcast v1, $0x4;
	v19 =	vld [tilespmem:s30+$0x4530]  }
0xee: {  	v21 =	vbroadcast v1, $0x7;
	[tilespmem:s30+$0x6430] =	vst v7;
	v7 =	vbroadcast v1, $0x6;
	v22 =	vld [tilespmem:s30+$0x4540]  }
0xef: {  	[tilespmem:s30+$0x6440] =	vst v6;
	v2 =	vmul.f32 v2, v8;
	v6 =	vmul.f32 v11, v8;
	v8 =	vld [tilespmem:s30+$0x4550]  }
0xf0: {  	v11 =	vmul.f32 v13, v18;
	[tilespmem:s30+$0x6450] =	vst v5;
	v5 =	vmul.f32 v12, v18;
	v12 =	vld [tilespmem:s30+$0x4560]  }
0xf1: {  	[tilespmem:s30+$0x6460] =	vst v3;
	v3 =	vmul.f32 v14, v7;
	v7 =	vmul.f32 v17, v7;
	v13 =	vld [tilespmem:s30+$0x4570]  }
0xf2: {  	v14 =	vmul.f32 v15, v21;
	[tilespmem:s30+$0x6470] =	vst v4;
	v4 =	vmul.f32 v20, v21;
	v15 =	vld [tilespmem:s30+$0x4580]  }
0xf3: {  	v17 =	vbroadcast v1, $0x9;
	[tilespmem:s30+$0x6480] =	vst v2;
	v2 =	vbroadcast v1, $0x8;
	v18 =	vld [tilespmem:s30+$0x4590]  }
0xf4: {  	v20 =	vbroadcast v1, $0xB;
	[tilespmem:s30+$0x6490] =	vst v6;
	v6 =	vbroadcast v1, $0xA;
	v21 =	vld [tilespmem:s30+$0x45A0]  }
0xf5: {  	[tilespmem:s30+$0x64A0] =	vst v5;
	v5 =	vmul.f32 v16, v2;
	v2 =	vmul.f32 v10, v2;
	v10 =	vld [tilespmem:s30+$0x45B0]  }
0xf6: {  	v9 =	vmul.f32 v9, v17;
	[tilespmem:s30+$0x64B0] =	vst v11;
	v11 =	vmul.f32 v19, v17;
	v16 =	vld [tilespmem:s30+$0x45C0]  }
0xf7: {  	[tilespmem:s30+$0x64C0] =	vst v3;
	v3 =	vmul.f32 v22, v6;
	v6 =	vmul.f32 v8, v6;
	v8 =	vld [tilespmem:s30+$0x45D0]  }
0xf8: {  	[tilespmem:s30+$0x64D0] =	vst v7;
	v7 =	vmul.f32 v12, v20;
	v12 =	vmul.f32 v13, v20;
	v13 =	vld [tilespmem:s30+$0x45E0]  }
0xf9: {  	v17 =	vbroadcast v1, $0xD;
	[tilespmem:s30+$0x64E0] =	vst v4;
	v4 =	vbroadcast v1, $0xC;
	v19 =	vld [tilespmem:s30+$0x45F0]  }
0xfa: {  	[tilespmem:s30+$0x64F0] =	vst v14;
	v14 =	vbroadcast v1, $0xE;
	v1 =	vbroadcast v1, $0xF  }
0xfb: {  	[tilespmem:s30+$0x6500] =	vst v5;
	v5 =	vmul.f32 v15, v4;
	v4 =	vmul.f32 v18, v4  }
0xfc: {  	v15 =	vmul.f32 v10, v17;
	[tilespmem:s30+$0x6510] =	vst v2;
	v2 =	vmul.f32 v21, v17  }
0xfd: {  	v16 =	vmul.f32 v16, v14;
	v14 =	vmul.f32 v8, v14;
	[tilespmem:s30+$0x6520] =	vst v9  }
0xfe: {  	[tilespmem:s30+$0x6530] =	vst v11;
	v11 =	vmul.f32 v13, v1;
	v1 =	vmul.f32 v19, v1  }
0xff: {  	[tilespmem:s30+$0x6540] =	vst v3  }
0x100: {  	[tilespmem:s30+$0x6550] =	vst v6  }
0x101: {  	s14 =	sshra.s32 s31, $0x2;
	[tilespmem:s30+$0x6560] =	vst v7  }
0x102: {  	v10 =	vld [tilespmem:s14+$0x4400];
	[tilespmem:s30+$0x6570] =	vst v12  }
0x103: {  	v9 =	vld [tilespmem:s14+$0x4410];
	[tilespmem:s30+$0x6580] =	vst v5  }
0x104: {  	v8 =	vld [tilespmem:s14+$0x4420];
	[tilespmem:s30+$0x6590] =	vst v4  }
0x105: {  	v7 =	vld [tilespmem:s14+$0x4430];
	[tilespmem:s30+$0x65A0] =	vst v2  }
0x106: {  	v6 =	vld [tilespmem:s14+$0x4440];
	[tilespmem:s30+$0x65B0] =	vst v15  }
.Ltmp3:
0x107: {  	v5 =	vld [tilespmem:s14+$0x4450];
	[tilespmem:s30+$0x65C0] =	vst v16;
	(pc) =	sbr.rel @p1 .LBB2_9-.Ltmp3, $4  }
0x108: {  	v3 =	vld [tilespmem:s14+$0x4460];
	[tilespmem:s30+$0x65D0] =	vst v14  }
0x109: {  	v4 =	vld [tilespmem:s14+$0x4470];
	[tilespmem:s30+$0x65E0] =	vst v11  }
0x10a: {  	s26 =	sadd.s32 $0x10, s26;
	v2 =	vld [tilespmem:s14+$0x4480];
	[tilespmem:s30+$0x65F0] =	vst v1;
	s30 =	smov.u32 s14  }
0x10b: {  	s31 =	sadd.s32 $0x800, s31;
	v1 =	vld [tilespmem:s26+$0x0]  }
0x10c: {  	_ =	sdelay $0x3  }
0x10d: {  	v15 =	vbroadcast v1, $0x0;
	_ =	sdelay $0x1  }
0x10e: {  	v20 =	vbroadcast v1, $0x1;
	v10 =	vmul.f32 v15, v10  }
0x10f: {  	v9 =	vmul.f32 v9, v15  }
0x110: {  	v37 =	vbroadcast v1, $0x2;
	v8 =	vmul.f32 v8, v20;
	[tilespmem:s30+$0x6400] =	vst v10  }
0x111: {  	v7 =	vmul.f32 v7, v20;
	[tilespmem:s30+$0x6410] =	vst v9  }
0x112: {  	v11 =	vld [tilespmem:s30+$0x4490];
	v40 =	vbroadcast v1, $0x3;
	v6 =	vmul.f32 v6, v37;
	[tilespmem:s30+$0x6420] =	vst v8  }
0x113: {  	v12 =	vld [tilespmem:s30+$0x44A0];
	v5 =	vmul.f32 v5, v37;
	[tilespmem:s30+$0x6430] =	vst v7  }
0x114: {  	v13 =	vld [tilespmem:s30+$0x44B0];
	v43 =	vbroadcast v1, $0x4;
	v3 =	vmul.f32 v3, v40;
	[tilespmem:s30+$0x6440] =	vst v6  }
0x115: {  	v14 =	vld [tilespmem:s30+$0x44C0];
	v4 =	vmul.f32 v4, v40;
	[tilespmem:s30+$0x6450] =	vst v5  }
0x116: {  	v16 =	vld [tilespmem:s30+$0x44D0];
	v45 =	vbroadcast v1, $0x5;
	v2 =	vmul.f32 v2, v43;
	[tilespmem:s30+$0x6460] =	vst v3  }
0x117: {  	v17 =	vld [tilespmem:s30+$0x44E0];
	v11 =	vmul.f32 v11, v43;
	[tilespmem:s30+$0x6470] =	vst v4  }
0x118: {  	v18 =	vld [tilespmem:s30+$0x44F0];
	v47 =	vbroadcast v1, $0x6;
	v12 =	vmul.f32 v12, v45;
	[tilespmem:s30+$0x6480] =	vst v2  }
0x119: {  	v19 =	vld [tilespmem:s30+$0x4500];
	v13 =	vmul.f32 v13, v45;
	[tilespmem:s30+$0x6490] =	vst v11  }
0x11a: {  	v46 =	vld [tilespmem:s30+$0x45A0];
	v50 =	vbroadcast v1, $0x7;
	v14 =	vmul.f32 v14, v47;
	[tilespmem:s30+$0x64A0] =	vst v12  }
0x11b: {  	v48 =	vld [tilespmem:s30+$0x45B0];
	v15 =	vmul.f32 v16, v47;
	[tilespmem:s30+$0x64B0] =	vst v13  }
0x11c: {  	v35 =	vld [tilespmem:s30+$0x4510];
	v53 =	vbroadcast v1, $0x8;
	v52 =	vmul.f32 v17, v50;
	[tilespmem:s30+$0x64C0] =	vst v14  }
0x11d: {  	v36 =	vld [tilespmem:s30+$0x4520];
	v60 =	vbroadcast v1, $0xD;
	v18 =	vmul.f32 v18, v50;
	[tilespmem:s30+$0x64D0] =	vst v15  }
0x11e: {  	v38 =	vld [tilespmem:s30+$0x4530];
	v19 =	vmul.f32 v19, v53;
	[tilespmem:s30+$0x64E0] =	vst v52  }
0x11f: {  	v39 =	vld [tilespmem:s30+$0x4540];
	v61 =	vmul.f32 v46, v60;
	[tilespmem:s30+$0x64F0] =	vst v18  }
0x120: {  	v41 =	vld [tilespmem:s30+$0x4550];
	v55 =	vbroadcast v1, $0x9;
	v62 =	vmul.f32 v48, v60;
	[tilespmem:s30+$0x6500] =	vst v19  }
0x121: {  	v3 =	vld [tilespmem:s30+$0x4570];
	v10 =	vmul.f32 v35, v53;
	[tilespmem:s30+$0x65A0] =	vst v61  }
0x122: {  	v42 =	vld [tilespmem:s30+$0x4560];
	v57 =	vbroadcast v1, $0xA;
	v9 =	vmul.f32 v36, v55;
	[tilespmem:s30+$0x65B0] =	vst v62  }
0x123: {  	v2 =	vld [tilespmem:s30+$0x4590];
	v8 =	vmul.f32 v38, v55;
	[tilespmem:s30+$0x6510] =	vst v10  }
0x124: {  	v44 =	vld [tilespmem:s30+$0x4580];
	v58 =	vbroadcast v1, $0xB;
	v7 =	vmul.f32 v39, v57;
	[tilespmem:s30+$0x6520] =	vst v9  }
0x125: {  	v49 =	vld [tilespmem:s30+$0x45C0];
	v6 =	vmul.f32 v41, v57;
	[tilespmem:s30+$0x6530] =	vst v8  }
0x126: {  	v51 =	vld [tilespmem:s30+$0x45D0];
	v59 =	vbroadcast v1, $0xC;
	[tilespmem:s30+$0x6540] =	vst v7;
	v3 =	vmul.f32 v3, v58  }
0x127: {  	v54 =	vld [tilespmem:s30+$0x45E0];
	v5 =	vmul.f32 v42, v58;
	[tilespmem:s30+$0x6550] =	vst v6  }
0x128: {  	v56 =	vld [tilespmem:s30+$0x45F0];
	v2 =	vmul.f32 v2, v59;
	[tilespmem:s30+$0x6570] =	vst v3;
	v3 =	vbroadcast v1, $0xE  }
0x129: {  	v4 =	vmul.f32 v44, v59;
	[tilespmem:s30+$0x6560] =	vst v5  }
0x12a: {  	[tilespmem:s30+$0x6590] =	vst v2;
	v1 =	vbroadcast v1, $0xF;
	v2 =	vmul.f32 v49, v3  }
0x12b: {  	[tilespmem:s30+$0x6580] =	vst v4;
	v3 =	vmul.f32 v51, v3  }
0x12c: {  	v63 =	vmul.f32 v54, v1;
	[tilespmem:s30+$0x65C0] =	vst v2  }
0x12d: {  	v1 =	vmul.f32 v56, v1;
	[tilespmem:s30+$0x65D0] =	vst v3  }
0x12e: {  	s14 =	sadd.s32 @!p0 $0xE80, s29;
	[tilespmem:s30+$0x65E0] =	vst v63  }
0x12f: {  	s26 =	simm.s32 @!p0 $0x80;
	s29 =	simm.s32 @!p0 $0x4400;
	s24 =	sadd.s32 $0x1, s24;
	[tilespmem:s30+$0x65F0] =	vst v1  }
0x130: {  	[tilespmem:s29], [sflag:$0x2] =	stream.indirect.gather @!p0 [hbm4b:s4+s26], $0x20, s14, s26, $0xb8;
	[tilespmem:$0x9400] =	vst v63  }
0x131: {  	s31 =	sshrl.u32 s28, $0x2;
	p0 =	sne.s32 s24, $0xD  }
.Ltmp4:
0x132: {  	s14 =	sadd.s32 $0x1A00, s31;
	(pc) =	sbr.rel @p0 .LBB2_6-.Ltmp4, $4  }
0x133: {  	[spmem:s1] =	stream.indirect.scatter.add.f32 [tilespmem:s23], [sflag:$0x3], $0x20, s14, s16, $0xb8;
	[tilespmem:$0x9400] =	vst v63  }
0x134: {  	_ =	swait.ge [sflag:s13], $0x1000  }
0x135: {  	[sflag:s13] =	ssyncset.done $0x0  }
0x136: {  	s25 =	sadd.s32 $0x100, s25;
	s0 =	sadd.s32 $0x100, s0;
	[sflag:s13] =	ssyncadd.s32 $0xFFFFF000  }
0x137: {  	s2 =	sadd.s32 $0x1, s2  }
0x138: {  	s0 =	sshll.u32 s3, $0x6;
	[bflag:$0x0] =	sbarrier.arrive $0xFFFF;
	p0 =	sne.s32 s2, s11  }
.Ltmp5:
0x139: {  	s14 =	sshrl.u32 s5, $0x3;
	s0 =	sor.u32 $0x1C03, s0;
	(pc) =	sbr.rel @p0 .LBB2_1-.Ltmp5, $4  }
0x13a: {  	[hbm:s10], [sflag:s0] =	dma.local [spmem:s14], $0x400  }
0x13b: {  	_ =	swait.ge [sflag:s13], $0x400  }
0x13c: {  	[sflag:s13] =	ssyncset.done $0x0  }
0x13d: {  	[sflag:s13] =	ssyncadd.s32 $0xFFFFFC00  }
0x13e: {  	_ =	sfence.sel $0x180000  }
0x13f: {  	[bflag:$0x0] =	sbarrier.arrive $0xFFFF  }
0x140: {  	_ =	strace $0x90000047  }
0x141: {  	[bflag:$0x2] =	sbarrier.arrive $0xFFFF  }
0x142: {  	p0 =	sne.s32 s3, $0x0;
	s0 =	rddreg [dreg:$0x5]  }
0x143: {  	s0 =	sadd.s32 @!p0 $0x100000, s0  }
0x144: {  	[sflag:s0] =	ssyncadd.tile.s32 @!p0 $0x1;
	_ =	shalt  }
.Lfunc_end2:
_tile_overlayer_lowered:
.L_overlay_start_2:
0x145: {  	(tag) =	ssettag $0x2  }
0x146: {  	s0 =	rddreg [dreg:$0x0];
	s2 =	stileid.u32  }
0x147: {  	s1 =	rddreg [dreg:$0x1];
	p0 =	sne.s32 s2, $0x0  }
0x148: {  	s3 =	rddreg [dreg:$0x2];
	[bflag:$0x3] =	sbarrier.arrive $0xFFFF;
	s2 =	simm.s32 @!p0 $0x1C03  }
0x149: {  	[timem:s3], [sflag:s2] =	dma.local @!p0 [hbm:s0], s1  }
0x14a: {  	s0 =	simm.s32 @!p0 $0x3  }
0x14b: {  	_ =	swait.ge @!p0 [sflag:s0], s1  }
0x14c: {  	s1 =	ssub.s32 @!p0 $0x0, s1;
	[sflag:s0] =	ssyncset.done @!p0 $0x0  }
0x14d: {  	[sflag:s0] =	ssyncadd.s32 @!p0 s1  }
0x14e: {  	[bflag:$0x3] =	sbarrier.arrive $0xFFFF  }
0x14f: {  	_ =	shalt  }

</sc_bundles>
